<compile_context>
chip_gen: v7x
topology: tpu7x:2x2x1
jax: 0.10.2.dev20260603
libtpu: 0.0.44.dev20260713+nightly
codegen_flags: <defaults>
</compile_context>

<pallas_src>
import jax
import jax.numpy as jnp
from jax import lax
from jax.experimental import pallas as pl
from jax.experimental.pallas import tpu as pltpu
from jax.experimental.pallas import tpu_sc as plsc

N = 10000
E = 320000
D = 128
HID = 128
H = 4
C = HID // H

NC = 2
NS = 16
NW = NC * NS
NPAD = 10112
EPW = 10112
EPAD = NW * EPW
CHUNK = 128
NCHUNK = EPW // CHUNK
CHUNK2B = 64
NCHUNK2B = EPW // CHUNK2B
CHUNK2A = 64
NCHUNK2A = EPW // CHUNK2A
RPT = NPAD // NS
NB = NPAD // 128
BPT = -(-NB // NS)
NB2 = NPAD // 64
BPT2 = -(-NB2 // NS)


def _sc_mesh():
    return plsc.VectorSubcoreMesh(core_axis_name="c", subcore_axis_name="s",
                                  num_cores=NC, num_subcores=NS)


INITB = 8
NIB = RPT // INITB


def _init_acc(z_hbm, zbuf_v, acc_sh, sid):
    pltpu.sync_copy(z_hbm, zbuf_v)

    def body(k, carry):
        off = sid * RPT + k * INITB
        pltpu.sync_copy(zbuf_v, acc_sh.at[pl.ds(off, INITB)])
        return carry

    lax.fori_loop(0, NIB, body, None)


def _writeback_acc(acc_sh, buf_v, out_hbm, cid, sid):
    def body(k, carry):
        off = sid * RPT + k * INITB
        pltpu.sync_copy(acc_sh.at[pl.ds(off, INITB)], buf_v)
        pltpu.sync_copy(buf_v, out_hbm.at[pl.ds(cid * NPAD + off, INITB)])
        return carry

    lax.fori_loop(0, NIB, body, None)


def _tc_sage_lin(x_ref, wl_ref, wr_ref, b_ref, y_ref, xr_ref):
    xb = x_ref[...]
    y_ref[...] = jnp.dot(xb, wl_ref[...], preferred_element_type=jnp.float32)
    xr_ref[...] = (
        jnp.dot(xb, wr_ref[...], preferred_element_type=jnp.float32)
        + b_ref[...]
    )


def _sage_lin(xp, wl, wr, b):
    return pl.pallas_call(
        _tc_sage_lin,
        grid=(NPAD // 128,),
        in_specs=[
            pl.BlockSpec((128, D), lambda i: (i, 0)),
            pl.BlockSpec((D, HID), lambda i: (0, 0)),
            pl.BlockSpec((D, HID), lambda i: (0, 0)),
            pl.BlockSpec((1, HID), lambda i: (0, 0)),
        ],
        out_specs=[
            pl.BlockSpec((128, HID), lambda i: (i, 0)),
            pl.BlockSpec((128, HID), lambda i: (i, 0)),
        ],
        out_shape=[
            jax.ShapeDtypeStruct((NPAD, HID), jnp.float32),
            jax.ShapeDtypeStruct((NPAD, HID), jnp.float32),
        ],
    )(xp, wl, wr, b)


def _sc_pass1(y_hbm, srcp, dstp, zf,
              agg_out,
              sidx_v, didx_v, rows_v, ib_v, acc_sh, sem):
    cid = lax.axis_index("c")
    sid = lax.axis_index("s")
    w = cid * NS + sid

    _init_acc(zf, ib_v, acc_sh, sid)
    plsc.subcore_barrier()

    def body(i, carry):
        base = w * EPW + i * CHUNK
        pltpu.sync_copy(srcp.at[pl.ds(base, CHUNK)], sidx_v)
        pltpu.sync_copy(dstp.at[pl.ds(base, CHUNK)], didx_v)
        pltpu.async_copy(y_hbm.at[sidx_v], rows_v, sem).wait()
        pltpu.sync_copy(rows_v, acc_sh.at[didx_v], add=True)
        return carry

    lax.fori_loop(0, NCHUNK, body, None)
    plsc.subcore_barrier()

    _writeback_acc(acc_sh, ib_v, agg_out, cid, sid)


def _run_pass1(y, srcp, dstp):
    zf = jnp.zeros((INITB, HID), jnp.float32)
    return pl.kernel(
        _sc_pass1,
        out_type=jax.ShapeDtypeStruct((NC * NPAD, HID), jnp.float32),
        mesh=_sc_mesh(),
        scratch_types=[
            pltpu.VMEM((CHUNK,), jnp.int32),
            pltpu.VMEM((CHUNK,), jnp.int32),
            pltpu.VMEM((CHUNK, HID), jnp.float32),
            pltpu.VMEM((INITB, HID), jnp.float32),
            pltpu.VMEM_SHARED((NPAD, HID), jnp.float32),
            pltpu.SemaphoreType.DMA,
        ],
    )(y, srcp, dstp, zf)


def _sc_deg(dstp, zf, ones_hbm,
            deg_out,
            didx_v, ones_v, buf_v, acc_sh, sem):
    cid = lax.axis_index("c")
    sid = lax.axis_index("s")
    w = cid * NS + sid

    _init_acc(zf, buf_v, acc_sh, sid)
    pltpu.sync_copy(ones_hbm, ones_v)
    plsc.subcore_barrier()

    def body(i, carry):
        base = w * EPW + i * CHUNK
        pltpu.sync_copy(dstp.at[pl.ds(base, CHUNK)], didx_v)
        pltpu.sync_copy(ones_v, acc_sh.at[didx_v], add=True)
        return carry

    lax.fori_loop(0, NCHUNK, body, None)
    plsc.subcore_barrier()

    _writeback_acc(acc_sh, buf_v, deg_out, cid, sid)


def _run_deg(dstp):
    zf = jnp.zeros((INITB, HID), jnp.float32)
    ones = jnp.ones((CHUNK, HID), jnp.float32)
    return pl.kernel(
        _sc_deg,
        out_type=jax.ShapeDtypeStruct((NC * NPAD, HID), jnp.float32),
        mesh=_sc_mesh(),
        scratch_types=[
            pltpu.VMEM((CHUNK,), jnp.int32),
            pltpu.VMEM((CHUNK, HID), jnp.float32),
            pltpu.VMEM((INITB, HID), jnp.float32),
            pltpu.VMEM_SHARED((NPAD, HID), jnp.float32),
            pltpu.SemaphoreType.DMA,
        ],
    )(dstp, zf, ones)


def _tc_gat_lin(aggp_ref, degp_ref, xr_ref, wg_ref, masks_ref, maskd_ref,
                hsum_ref, g_ref, sc8_ref):
    agg = aggp_ref[0] + aggp_ref[1]
    deg = jnp.maximum(degp_ref[0][:, 0:1] + degp_ref[1][:, 0:1], 1.0)
    h = jnp.maximum(agg / deg + xr_ref[...], 0.0)
    g = jnp.dot(h, wg_ref[...], preferred_element_type=jnp.float32)
    g_ref[...] = g
    hsum = hsum_ref[...]
    a_s = jnp.dot(g * masks_ref[...], hsum, preferred_element_type=jnp.float32)
    a_d = jnp.dot(g * maskd_ref[...], hsum, preferred_element_type=jnp.float32)
    sc8_ref[...] = jnp.concatenate(
        [a_s, a_d, jnp.zeros((128, 128 - 2 * H), jnp.float32)], axis=1)


def _make_head_sum():
    import numpy as np
    m = np.zeros((HID, H), np.float32)
    for h in range(H):
        m[h * C:(h + 1) * C, h] = 1.0
    return jnp.asarray(m)


def _gat_lin(aggp, degp, xr, wg, att_s_flat, att_d_flat):
    return pl.pallas_call(
        _tc_gat_lin,
        grid=(NPAD // 128,),
        in_specs=[
            pl.BlockSpec((NC, 128, HID), lambda i: (0, i, 0)),
            pl.BlockSpec((NC, 128, HID), lambda i: (0, i, 0)),
            pl.BlockSpec((128, HID), lambda i: (i, 0)),
            pl.BlockSpec((HID, HID), lambda i: (0, 0)),
            pl.BlockSpec((1, HID), lambda i: (0, 0)),
            pl.BlockSpec((1, HID), lambda i: (0, 0)),
            pl.BlockSpec((HID, H), lambda i: (0, 0)),
        ],
        out_specs=[
            pl.BlockSpec((128, HID), lambda i: (i, 0)),
            pl.BlockSpec((128, 128), lambda i: (i, 0)),
        ],
        out_shape=[
            jax.ShapeDtypeStruct((NPAD, HID), jnp.float32),
            jax.ShapeDtypeStruct((NPAD, 128), jnp.float32),
        ],
    )(aggp, degp, xr, wg, att_s_flat, att_d_flat, _make_head_sum())


def _sc_pass2a(stab, dtab, srcp, dstp, zf, zf8,
               den_out,
               sidx_v, didx_v, srows_v, drows_v, erows_v, ib_v, acc_sh, sem):
    cid = lax.axis_index("c")
    sid = lax.axis_index("s")
    w = cid * NS + sid

    pltpu.sync_copy(zf, erows_v)
    _init_acc(zf8, ib_v, acc_sh, sid)
    plsc.subcore_barrier()

    def chunk_body(i, carry):
        base = w * EPW + i * CHUNK2A
        pltpu.sync_copy(srcp.at[pl.ds(base, CHUNK2A)], sidx_v)
        pltpu.sync_copy(dstp.at[pl.ds(base, CHUNK2A)], didx_v)
        pltpu.async_copy(stab.at[sidx_v], srows_v, sem).wait()
        pltpu.async_copy(dtab.at[didx_v], drows_v, sem).wait()

        def edge_body(j, carry2):
            s_a = srows_v[j, pl.ds(0, 16)]
            drow = drows_v[j, pl.ds(0, 16)]
            asum = s_a + drow
            alpha = jnp.maximum(asum, 0.2 * asum)
            erows_v[j, pl.ds(0, 16)] = jnp.exp(alpha)
            return carry2

        lax.fori_loop(0, CHUNK2A, edge_body, None)
        pltpu.sync_copy(erows_v, acc_sh.at[didx_v], add=True)
        return carry

    lax.fori_loop(0, NCHUNK2A, chunk_body, None)
    plsc.subcore_barrier()

    _writeback_acc(acc_sh, ib_v, den_out, cid, sid)


def _run_pass2a(stab, dtab, srcp, dstp):
    zf = jnp.zeros((CHUNK2A, HID), jnp.float32)
    zf8 = jnp.zeros((INITB, HID), jnp.float32)
    return pl.kernel(
        _sc_pass2a,
        out_type=jax.ShapeDtypeStruct((NC * NPAD, HID), jnp.float32),
        mesh=_sc_mesh(),
        scratch_types=[
            pltpu.VMEM((CHUNK2A,), jnp.int32),
            pltpu.VMEM((CHUNK2A,), jnp.int32),
            pltpu.VMEM((CHUNK2A, HID), jnp.float32),
            pltpu.VMEM((CHUNK2A, HID), jnp.float32),
            pltpu.VMEM((CHUNK2A, HID), jnp.float32),
            pltpu.VMEM((INITB, HID), jnp.float32),
            pltpu.VMEM_SHARED((NPAD, HID), jnp.float32),
            pltpu.SemaphoreType.DMA,
        ],
    )(stab, dtab, srcp, dstp, zf, zf8)


def _tc_recip(denp_ref, sc8_ref, out_ref):
    den = denp_ref[0][:, 0:H] + denp_ref[1][:, 0:H]
    r = 1.0 / (den + 1e-16)
    out_ref[...] = jnp.concatenate(
        [sc8_ref[:, H:2 * H], r, jnp.zeros((128, 128 - 2 * H), jnp.float32)],
        axis=1)


def _recip(denp, sc8):
    return pl.pallas_call(
        _tc_recip,
        grid=(NPAD // 128,),
        in_specs=[
            pl.BlockSpec((NC, 128, HID), lambda i: (0, i, 0)),
            pl.BlockSpec((128, 128), lambda i: (i, 0)),
        ],
        out_specs=pl.BlockSpec((128, 128), lambda i: (i, 0)),
        out_shape=jax.ShapeDtypeStruct((NPAD, 128), jnp.float32),
    )(denp, sc8)


def _sc_pass2b(gtab, ddtab, srcp, dstp, zf,
               num_out,
               sidx_v, didx_v, grows_v, drows_v, mrow_v, ib_v, acc_sh, sem):
    cid = lax.axis_index("c")
    sid = lax.axis_index("s")
    w = cid * NS + sid

    _init_acc(zf, ib_v, acc_sh, sid)
    plsc.subcore_barrier()

    def chunk_body(i, carry):
        base = w * EPW + i * CHUNK2B
        pltpu.sync_copy(srcp.at[pl.ds(base, CHUNK2B)], sidx_v)
        pltpu.sync_copy(dstp.at[pl.ds(base, CHUNK2B)], didx_v)
        pltpu.async_copy(gtab.at[sidx_v], grows_v, sem).wait()
        pltpu.async_copy(ddtab.at[didx_v], drows_v, sem).wait()

        def edge_body(j, carry2):
            s_a = grows_v[j, pl.ds(D, 16)]
            drow = drows_v[j, pl.ds(0, 16)]
            asum = s_a + drow
            alpha = jnp.maximum(asum, 0.2 * asum)
            e = jnp.exp(alpha)
            for hh in range(H):
                wh = e[hh] * drow[H + hh] * (1.0 / H)
                for k in range(C // 16):
                    off = hh * C + k * 16
                    mrow_v[j, pl.ds(off, 16)] = grows_v[j, pl.ds(off, 16)] * wh
            return carry2

        lax.fori_loop(0, CHUNK2B, edge_body, None)
        pltpu.sync_copy(mrow_v, acc_sh.at[didx_v], add=True)
        return carry

    lax.fori_loop(0, NCHUNK2B, chunk_body, None)
    plsc.subcore_barrier()

    _writeback_acc(acc_sh, ib_v, num_out, cid, sid)


def _run_pass2b(gtab, ddtab, srcp, dstp):
    zf = jnp.zeros((INITB, HID), jnp.float32)
    return pl.kernel(
        _sc_pass2b,
        out_type=jax.ShapeDtypeStruct((NC * NPAD, HID), jnp.float32),
        mesh=_sc_mesh(),
        scratch_types=[
            pltpu.VMEM((CHUNK2B,), jnp.int32),
            pltpu.VMEM((CHUNK2B,), jnp.int32),
            pltpu.VMEM((CHUNK2B, 2 * D), jnp.float32),
            pltpu.VMEM((CHUNK2B, HID), jnp.float32),
            pltpu.VMEM((CHUNK2B, HID), jnp.float32),
            pltpu.VMEM((INITB, HID), jnp.float32),
            pltpu.VMEM_SHARED((NPAD, HID), jnp.float32),
            pltpu.SemaphoreType.DMA,
        ],
    )(gtab, ddtab, srcp, dstp, zf)


def _tc_final(nump_ref, bg_ref, wc_ref, bc_ref, out_ref):
    a = nump_ref[0] + nump_ref[1]
    s = jnp.zeros((128, C), jnp.float32)
    for hh in range(H):
        s = s + a[:, hh * C:(hh + 1) * C]
    m = jnp.maximum(s + bg_ref[...], 0.0)
    out_ref[...] = (
        jnp.dot(m, wc_ref[...], preferred_element_type=jnp.float32)
        + bc_ref[...]
    )


def _final(nump, bg, wc, bc):
    return pl.pallas_call(
        _tc_final,
        grid=(NPAD // 128,),
        in_specs=[
            pl.BlockSpec((NC, 128, HID), lambda i: (0, i, 0)),
            pl.BlockSpec((1, C), lambda i: (0, 0)),
            pl.BlockSpec((C, 1), lambda i: (0, 0)),
            pl.BlockSpec((1, 1), lambda i: (0, 0)),
        ],
        out_specs=pl.BlockSpec((128, 1), lambda i: (i, 0)),
        out_shape=jax.ShapeDtypeStruct((NPAD, 1), jnp.float32),
    )(nump, bg, wc, bc)


def kernel(x, edge_index, W_sage_l, W_sage_r, b_sage, W_gat, att_src,
           att_dst, b_gat, W_cls, b_cls):
    xp = jnp.pad(x, ((0, NPAD - N), (0, 0)))
    src = edge_index[0]
    dst = edge_index[1]
    pad_e = EPAD - E
    srcp = jnp.concatenate([src, jnp.zeros((pad_e,), jnp.int32)])
    dstp = jnp.concatenate([dst, jnp.full((pad_e,), N, jnp.int32)])

    y, xr = _sage_lin(xp, W_sage_l, W_sage_r, b_sage.reshape(1, HID))

    aggp = _run_pass1(y, srcp, dstp).reshape(NC, NPAD, HID)
    degp = _run_deg(dstp).reshape(NC, NPAD, HID)

    att_s_flat = att_src.reshape(1, HID)
    att_d_flat = att_dst.reshape(1, HID)
    g, sc8 = _gat_lin(aggp, degp, xr, W_gat, att_s_flat, att_d_flat)

    zpad = jnp.zeros((NPAD, 128 - H), jnp.float32)
    stab = jnp.concatenate([sc8[:, 0:H], zpad], axis=1)
    dtab = jnp.concatenate([sc8[:, H:2 * H], zpad], axis=1)

    denp = _run_pass2a(stab, dtab, srcp, dstp).reshape(NC, NPAD, HID)

    ddtab = _recip(denp, sc8)
    gtab = jnp.concatenate(
        [g, sc8[:, 0:H], jnp.zeros((NPAD, D - H), jnp.float32)], axis=1)

    nump = _run_pass2b(gtab, ddtab, srcp, dstp).reshape(NC, NPAD, HID)

    out = _final(nump, b_gat.reshape(1, C), W_cls, b_cls.reshape(1, 1))
    return out[:N, 0]

# --- scband reference (transcript-rebuilt; emitter-appended) ---
"""Pipeline reference for scband-hybrid-dcemodel-75651553951961 (READ-ONLY COPY).

The authoritative reference and input builder live on the scoring server;
editing this copy changes nothing except your own understanding.
"""

import jax, jax.numpy as jnp
import numpy as np

N = 10000
E = 320000
D = 128
HID = 128
H = 4
C = HID // H

def setup_inputs(seed: int = 0):
    key = jax.random.key(seed)
    ks = jax.random.split(key, 12)
    x = jax.random.normal(ks[0], (N, D), dtype=jnp.float32)
    edge_index = jax.random.randint(ks[1], (2, E), 0, N, dtype=jnp.int32)
    W_sage_l = jax.random.normal(ks[2], (D, HID), dtype=jnp.float32) * 0.05
    W_sage_r = jax.random.normal(ks[3], (D, HID), dtype=jnp.float32) * 0.05
    b_sage = jnp.zeros((HID,), dtype=jnp.float32)
    W_gat = jax.random.normal(ks[4], (HID, H * C), dtype=jnp.float32) * 0.05
    att_src = jax.random.normal(ks[5], (H, C), dtype=jnp.float32) * 0.1
    att_dst = jax.random.normal(ks[6], (H, C), dtype=jnp.float32) * 0.1
    b_gat = jnp.zeros((C,), dtype=jnp.float32)
    W_cls = jax.random.normal(ks[7], (C, 1), dtype=jnp.float32) * 0.1
    b_cls = jnp.zeros((1,), dtype=jnp.float32)
    return {"x": x, "edge_index": edge_index, "W_sage_l": W_sage_l, "W_sage_r": W_sage_r, "b_sage": b_sage, "W_gat": W_gat, "att_src": att_src, "att_dst": att_dst, "b_gat": b_gat, "W_cls": W_cls, "b_cls": b_cls}

def reference(x, edge_index, W_sage_l, W_sage_r, b_sage, W_gat, att_src, att_dst, b_gat, W_cls, b_cls):
    src = edge_index[0]
    dst = edge_index[1]
    # SAGEConv with mean aggregation: lin_l(mean_j x_j) + lin_r(x_i) + bias
    agg = jax.ops.segment_sum(x[src], dst, num_segments=N)
    deg = jax.ops.segment_sum(jnp.ones((E,), dtype=x.dtype), dst, num_segments=N)
    mean = agg / jnp.clip(deg, 1.0)[:, None]
    h = mean @ W_sage_l + x @ W_sage_r + b_sage
    h = jax.nn.relu(h)
    # dropout is identity in eval mode
    # GATConv, heads=H, concat=False (mean over heads)
    g = (h @ W_gat).reshape(N, H, C)
    a_s = (g * att_src[None, :, :]).sum(-1)  # [N, H]
    a_d = (g * att_dst[None, :, :]).sum(-1)  # [N, H]
    alpha = jax.nn.leaky_relu(a_s[src] + a_d[dst], negative_slope=0.2)  # [E, H]
    m = jax.ops.segment_max(alpha, dst, num_segments=N)
    m = jnp.where(jnp.isfinite(m), m, 0.0)
    e = jnp.exp(alpha - m[dst])
    denom = jax.ops.segment_sum(e, dst, num_segments=N)
    attn = e / (denom[dst] + 1e-16)
    msg = g[src] * attn[:, :, None]
    out = jax.ops.segment_sum(msg, dst, num_segments=N)  # [N, H, C]
    out = out.mean(axis=1) + b_gat
    out = jax.nn.relu(out)
    logits = (out @ W_cls + b_cls).squeeze(-1)
    return logits

if __name__ == "__main__":
    import jax
    _d = setup_inputs()
    print(jax.jit(kernel)(*tuple(_d.values())))

</pallas_src>

<mosaic_0001>
#map = affine_map<(d0, d1) -> (0, 0)>
#map1 = affine_map<(d0, d1) -> (0)>
module attributes {stable_mosaic.version = 14 : i64} {
  func.func @_sc_pass2a(%arg0: i32, %arg1: i32, %arg2: memref<10112x128xf32, #tpu.memory_space<hbm>>, %arg3: memref<10112x128xf32, #tpu.memory_space<hbm>>, %arg4: memref<323584xi32, #tpu.memory_space<hbm>>, %arg5: memref<323584xi32, #tpu.memory_space<hbm>>, %arg6: memref<64x128xf32, #tpu.memory_space<hbm>>, %arg7: memref<8x128xf32, #tpu.memory_space<hbm>>, %arg8: memref<20224x128xf32, #tpu.memory_space<hbm>>, %arg9: memref<64xi32, #tpu.memory_space<vmem>>, %arg10: memref<64xi32, #tpu.memory_space<vmem>>, %arg11: memref<64x128xf32, #tpu.memory_space<vmem>>, %arg12: memref<64x128xf32, #tpu.memory_space<vmem>>, %arg13: memref<64x128xf32, #tpu.memory_space<vmem>>, %arg14: memref<8x128xf32, #tpu.memory_space<vmem>>, %arg15: memref<10112x128xf32, #tpu.memory_space<vmem_shared>>, %arg16: memref<!tpu.dma_semaphore, #tpu.memory_space<semaphore_mem>>) attributes {dimension_semantics = [#tpu.dimension_semantics<core_parallel>, #tpu.dimension_semantics<subcore_parallel>], iteration_bounds = array<i64: 2, 16>, scalar_prefetch = 0 : i64, scratch_operands = 8 : i64, tpu.core_type = #tpu.core_type<sc_vector_subcore>, window_params = [{transform_indices = #map}, {transform_indices = #map}, {transform_indices = #map1}, {transform_indices = #map1}, {transform_indices = #map}, {transform_indices = #map}, {transform_indices = #map}]} {
    %mul3A = arith.constant 16 : i32
    %mul3A_0 = arith.muli %arg0, %mul3A : i32
    %add3A = arith.addi %mul3A_0, %arg1 : i32
    "tpu.region"() ({
      %run_scoped3A = tpu.sem_alloc : memref<!tpu.dma_semaphore, #tpu.memory_space<semaphore_mem>>
      tpu.enqueue_dma source(%arg6 : memref<64x128xf32, #tpu.memory_space<hbm>>) target(%arg13 : memref<64x128xf32, #tpu.memory_space<vmem>>) target_semaphore(%run_scoped3A : memref<!tpu.dma_semaphore, #tpu.memory_space<semaphore_mem>>)
      tpu.wait_dma2 semaphore(%run_scoped3A : memref<!tpu.dma_semaphore, #tpu.memory_space<semaphore_mem>>) src(%arg6 : memref<64x128xf32, #tpu.memory_space<hbm>>) dst(%arg13 : memref<64x128xf32, #tpu.memory_space<vmem>>)
      tpu.yield
    }) : () -> ()
    "tpu.region"() ({
      %run_scoped3A = tpu.sem_alloc : memref<!tpu.dma_semaphore, #tpu.memory_space<semaphore_mem>>
      tpu.enqueue_dma source(%arg7 : memref<8x128xf32, #tpu.memory_space<hbm>>) target(%arg14 : memref<8x128xf32, #tpu.memory_space<vmem>>) target_semaphore(%run_scoped3A : memref<!tpu.dma_semaphore, #tpu.memory_space<semaphore_mem>>)
      tpu.wait_dma2 semaphore(%run_scoped3A : memref<!tpu.dma_semaphore, #tpu.memory_space<semaphore_mem>>) src(%arg7 : memref<8x128xf32, #tpu.memory_space<hbm>>) dst(%arg14 : memref<8x128xf32, #tpu.memory_space<vmem>>)
      tpu.yield
    }) : () -> ()
    %scan3A = arith.constant 0 : i32
    %scan3A_1 = arith.constant 79 : i32
    %scan3A_2 = arith.addi %scan3A, %scan3A_1 : i32
    %scan3A_3 = arith.constant 1 : i32
    scf.for %scan3A_16 = %scan3A to %scan3A_2 step %scan3A_3  : i32 {
      %mul3A_17 = arith.constant 632 : i32
      %mul3A_18 = arith.muli %arg1, %mul3A_17 : i32
      %mul3A_19 = arith.constant 8 : i32
      %mul3A_20 = arith.muli %scan3A_16, %mul3A_19 : i32
      %add3A_21 = arith.addi %mul3A_18, %mul3A_20 : i32
      "tpu.region"() ({
        %run_scoped3A = tpu.sem_alloc : memref<!tpu.dma_semaphore, #tpu.memory_space<semaphore_mem>>
        %dma_start3A = arith.constant 0 : i32
        %dma_start3A_22 = tpu.memref_slice %arg15[%add3A_21, %dma_start3A] : memref<10112x128xf32, #tpu.memory_space<vmem_shared>> -> memref<8x128xf32, #tpu.memory_space<vmem_shared>>
        %dma_start3A_23 = arith.constant 0 : i32
        %dma_start3A_24 = tpu.memref_slice %arg15[%add3A_21, %dma_start3A_23] : memref<10112x128xf32, #tpu.memory_space<vmem_shared>> -> memref<8x128xf32, #tpu.memory_space<vmem_shared>>
        tpu.enqueue_dma source(%arg14 : memref<8x128xf32, #tpu.memory_space<vmem>>) target(%dma_start3A_24 : memref<8x128xf32, #tpu.memory_space<vmem_shared>>) target_semaphore(%run_scoped3A : memref<!tpu.dma_semaphore, #tpu.memory_space<semaphore_mem>>)
        %dma_wait3A = arith.constant 0 : i32
        %dma_wait3A_25 = tpu.memref_slice %arg15[%add3A_21, %dma_wait3A] : memref<10112x128xf32, #tpu.memory_space<vmem_shared>> -> memref<8x128xf32, #tpu.memory_space<vmem_shared>>
        %dma_wait3A_26 = arith.constant 0 : i32
        %dma_wait3A_27 = tpu.memref_slice %arg15[%add3A_21, %dma_wait3A_26] : memref<10112x128xf32, #tpu.memory_space<vmem_shared>> -> memref<8x128xf32, #tpu.memory_space<vmem_shared>>
        tpu.wait_dma2 semaphore(%run_scoped3A : memref<!tpu.dma_semaphore, #tpu.memory_space<semaphore_mem>>) src(%arg14 : memref<8x128xf32, #tpu.memory_space<vmem>>) dst(%dma_wait3A_27 : memref<8x128xf32, #tpu.memory_space<vmem_shared>>)
        tpu.yield
      }) : () -> ()
    }
    %scan3A_4 = arith.constant 79 : i32
    %barrier3A = arith.constant 0 : index
    tpu.barrier barrier_id(%barrier3A)
    %scan3A_5 = arith.constant 0 : i32
    %scan3A_6 = arith.constant 158 : i32
    %scan3A_7 = arith.addi %scan3A_5, %scan3A_6 : i32
    %scan3A_8 = arith.constant 1 : i32
    scf.for %scan3A_16 = %scan3A_5 to %scan3A_7 step %scan3A_8  : i32 {
      %mul3A_17 = arith.constant 10112 : i32
      %mul3A_18 = arith.muli %add3A, %mul3A_17 : i32
      %mul3A_19 = arith.constant 64 : i32
      %mul3A_20 = arith.muli %scan3A_16, %mul3A_19 : i32
      %add3A_21 = arith.addi %mul3A_18, %mul3A_20 : i32
      "tpu.region"() ({
        %run_scoped3A = tpu.sem_alloc : memref<!tpu.dma_semaphore, #tpu.memory_space<semaphore_mem>>
        %dma_start3A_37 = tpu.memref_slice %arg4[%add3A_21] : memref<323584xi32, #tpu.memory_space<hbm>> -> memref<64xi32, #tpu.memory_space<hbm>>
        %dma_start3A_38 = tpu.memref_slice %arg4[%add3A_21] : memref<323584xi32, #tpu.memory_space<hbm>> -> memref<64xi32, #tpu.memory_space<hbm>>
        tpu.enqueue_dma source(%dma_start3A_38 : memref<64xi32, #tpu.memory_space<hbm>>) target(%arg9 : memref<64xi32, #tpu.memory_space<vmem>>) target_semaphore(%run_scoped3A : memref<!tpu.dma_semaphore, #tpu.memory_space<semaphore_mem>>)
        %dma_wait3A_39 = tpu.memref_slice %arg4[%add3A_21] : memref<323584xi32, #tpu.memory_space<hbm>> -> memref<64xi32, #tpu.memory_space<hbm>>
        %dma_wait3A_40 = tpu.memref_slice %arg4[%add3A_21] : memref<323584xi32, #tpu.memory_space<hbm>> -> memref<64xi32, #tpu.memory_space<hbm>>
        tpu.wait_dma2 semaphore(%run_scoped3A : memref<!tpu.dma_semaphore, #tpu.memory_space<semaphore_mem>>) src(%dma_wait3A_40 : memref<64xi32, #tpu.memory_space<hbm>>) dst(%arg9 : memref<64xi32, #tpu.memory_space<vmem>>)
        tpu.yield
      }) : () -> ()
      "tpu.region"() ({
        %run_scoped3A = tpu.sem_alloc : memref<!tpu.dma_semaphore, #tpu.memory_space<semaphore_mem>>
        %dma_start3A_37 = tpu.memref_slice %arg5[%add3A_21] : memref<323584xi32, #tpu.memory_space<hbm>> -> memref<64xi32, #tpu.memory_space<hbm>>
        %dma_start3A_38 = tpu.memref_slice %arg5[%add3A_21] : memref<323584xi32, #tpu.memory_space<hbm>> -> memref<64xi32, #tpu.memory_space<hbm>>
        tpu.enqueue_dma source(%dma_start3A_38 : memref<64xi32, #tpu.memory_space<hbm>>) target(%arg10 : memref<64xi32, #tpu.memory_space<vmem>>) target_semaphore(%run_scoped3A : memref<!tpu.dma_semaphore, #tpu.memory_space<semaphore_mem>>)
        %dma_wait3A_39 = tpu.memref_slice %arg5[%add3A_21] : memref<323584xi32, #tpu.memory_space<hbm>> -> memref<64xi32, #tpu.memory_space<hbm>>
        %dma_wait3A_40 = tpu.memref_slice %arg5[%add3A_21] : memref<323584xi32, #tpu.memory_space<hbm>> -> memref<64xi32, #tpu.memory_space<hbm>>
        tpu.wait_dma2 semaphore(%run_scoped3A : memref<!tpu.dma_semaphore, #tpu.memory_space<semaphore_mem>>) src(%dma_wait3A_40 : memref<64xi32, #tpu.memory_space<hbm>>) dst(%arg10 : memref<64xi32, #tpu.memory_space<vmem>>)
        tpu.yield
      }) : () -> ()
      %dma_start3A = arith.constant 0 : i32
      %dma_start3A_22 = arith.constant 0 : i32
      %dma_start3A_23 = tpu.memref_slice %arg2[%dma_start3A, %dma_start3A_22] : memref<10112x128xf32, #tpu.memory_space<hbm>> -> memref<10112x128xf32, #tpu.memory_space<hbm>>
      tpu.enqueue_indirect_dma source(%dma_start3A_23 : memref<10112x128xf32, #tpu.memory_space<hbm>>) target(%arg11 : memref<64x128xf32, #tpu.memory_space<vmem>>) offsets(%arg9 : memref<64xi32, #tpu.memory_space<vmem>>) semaphore(%arg16 : memref<!tpu.dma_semaphore, #tpu.memory_space<semaphore_mem>>)
      %dma_wait3A = arith.constant 0 : i32
      %dma_wait3A_24 = arith.constant 0 : i32
      %dma_wait3A_25 = tpu.memref_slice %arg2[%dma_wait3A, %dma_wait3A_24] : memref<10112x128xf32, #tpu.memory_space<hbm>> -> memref<10112x128xf32, #tpu.memory_space<hbm>>
      tpu.wait_indirect_dma semaphore(%arg16 : memref<!tpu.dma_semaphore, #tpu.memory_space<semaphore_mem>>) src(%dma_wait3A_25 : memref<10112x128xf32, #tpu.memory_space<hbm>>) dst(%arg11 : memref<64x128xf32, #tpu.memory_space<vmem>>)
      %dma_start3A_26 = arith.constant 0 : i32
      %dma_start3A_27 = arith.constant 0 : i32
      %dma_start3A_28 = tpu.memref_slice %arg3[%dma_start3A_26, %dma_start3A_27] : memref<10112x128xf32, #tpu.memory_space<hbm>> -> memref<10112x128xf32, #tpu.memory_space<hbm>>
      tpu.enqueue_indirect_dma source(%dma_start3A_28 : memref<10112x128xf32, #tpu.memory_space<hbm>>) target(%arg12 : memref<64x128xf32, #tpu.memory_space<vmem>>) offsets(%arg10 : memref<64xi32, #tpu.memory_space<vmem>>) semaphore(%arg16 : memref<!tpu.dma_semaphore, #tpu.memory_space<semaphore_mem>>)
      %dma_wait3A_29 = arith.constant 0 : i32
      %dma_wait3A_30 = arith.constant 0 : i32
      %dma_wait3A_31 = tpu.memref_slice %arg3[%dma_wait3A_29, %dma_wait3A_30] : memref<10112x128xf32, #tpu.memory_space<hbm>> -> memref<10112x128xf32, #tpu.memory_space<hbm>>
      tpu.wait_indirect_dma semaphore(%arg16 : memref<!tpu.dma_semaphore, #tpu.memory_space<semaphore_mem>>) src(%dma_wait3A_31 : memref<10112x128xf32, #tpu.memory_space<hbm>>) dst(%arg12 : memref<64x128xf32, #tpu.memory_space<vmem>>)
      %scan3A_32 = arith.constant 0 : i32
      %scan3A_33 = arith.constant 64 : i32
      %scan3A_34 = arith.addi %scan3A_32, %scan3A_33 : i32
      %scan3A_35 = arith.constant 1 : i32
      scf.for %scan3A_37 = %scan3A_32 to %scan3A_34 step %scan3A_35  : i32 {
        %get3A = arith.index_cast %scan3A_37 : i32 to index
        %get3A_38 = arith.constant 0 : index
        %get3A_39 = tpu.vector_load %arg11[%get3A, %get3A_38] {strides = array<i32>} : memref<64x128xf32, #tpu.memory_space<vmem>>, vector<1x16xf32>,
        %get3A_40 = vector.shape_cast %get3A_39 : vector<1x16xf32> to vector<16xf32>
        %get3A_41 = arith.index_cast %scan3A_37 : i32 to index
        %get3A_42 = arith.constant 0 : index
        %get3A_43 = tpu.vector_load %arg12[%get3A_41, %get3A_42] {strides = array<i32>} : memref<64x128xf32, #tpu.memory_space<vmem>>, vector<1x16xf32>,
        %get3A_44 = vector.shape_cast %get3A_43 : vector<1x16xf32> to vector<16xf32>
        %add3A_45 = arith.addf %get3A_40, %get3A_44 : vector<16xf32>
        %mul3A_46 = arith.constant 2.000000e-01 : f32
        %mul3A_47 = vector.broadcast %mul3A_46 : f32 to vector<16xf32>
        %mul3A_48 = arith.mulf %mul3A_47, %add3A_45 : vector<16xf32>
        %max3A = arith.maximumf %add3A_45, %mul3A_48 : vector<16xf32>
        %exp3A = math.exp %max3A : vector<16xf32>
        %swap3A = arith.index_cast %scan3A_37 : i32 to index
        %swap3A_49 = arith.constant 0 : index
        %swap3A_50 = tpu.vector_load %arg13[%swap3A, %swap3A_49] {strides = array<i32>} : memref<64x128xf32, #tpu.memory_space<vmem>>, vector<1x16xf32>,
        %swap3A_51 = vector.shape_cast %swap3A_50 : vector<1x16xf32> to vector<16xf32>
        %swap3A_52 = vector.shape_cast %exp3A : vector<16xf32> to vector<1x16xf32>
        tpu.vector_store %arg13[%swap3A, %swap3A_49], %swap3A_52 {strides = array<i32>} : memref<64x128xf32, #tpu.memory_space<vmem>>, vector<1x16xf32>,
      }
      %scan3A_36 = arith.constant 64 : i32
      "tpu.region"() ({
        %run_scoped3A = tpu.sem_alloc : memref<!tpu.dma_semaphore, #tpu.memory_space<semaphore_mem>>
        %dma_start3A_37 = arith.constant 0 : i32
        %dma_start3A_38 = arith.constant 0 : i32
        %dma_start3A_39 = tpu.memref_slice %arg15[%dma_start3A_37, %dma_start3A_38] : memref<10112x128xf32, #tpu.memory_space<vmem_shared>> -> memref<10112x128xf32, #tpu.memory_space<vmem_shared>>
        tpu.enqueue_indirect_dma source(%arg13 : memref<64x128xf32, #tpu.memory_space<vmem>>) target(%dma_start3A_39 : memref<10112x128xf32, #tpu.memory_space<vmem_shared>>) offsets(%arg10 : memref<64xi32, #tpu.memory_space<vmem>>) semaphore(%run_scoped3A : memref<!tpu.dma_semaphore, #tpu.memory_space<semaphore_mem>>) {add = true}
        %dma_wait3A_40 = arith.constant 0 : i32
        %dma_wait3A_41 = arith.constant 0 : i32
        %dma_wait3A_42 = tpu.memref_slice %arg15[%dma_wait3A_40, %dma_wait3A_41] : memref<10112x128xf32, #tpu.memory_space<vmem_shared>> -> memref<10112x128xf32, #tpu.memory_space<vmem_shared>>
        tpu.wait_indirect_dma semaphore(%run_scoped3A : memref<!tpu.dma_semaphore, #tpu.memory_space<semaphore_mem>>) src(%arg13 : memref<64x128xf32, #tpu.memory_space<vmem>>) dst(%dma_wait3A_42 : memref<10112x128xf32, #tpu.memory_space<vmem_shared>>)
        tpu.yield
      }) : () -> ()
    }
    %scan3A_9 = arith.constant 158 : i32
    %barrier3A_10 = arith.constant 0 : index
    tpu.barrier barrier_id(%barrier3A_10)
    %scan3A_11 = arith.constant 0 : i32
    %scan3A_12 = arith.constant 79 : i32
    %scan3A_13 = arith.addi %scan3A_11, %scan3A_12 : i32
    %scan3A_14 = arith.constant 1 : i32
    scf.for %scan3A_16 = %scan3A_11 to %scan3A_13 step %scan3A_14  : i32 {
      %mul3A_17 = arith.constant 632 : i32
      %mul3A_18 = arith.muli %arg1, %mul3A_17 : i32
      %mul3A_19 = arith.constant 8 : i32
      %mul3A_20 = arith.muli %scan3A_16, %mul3A_19 : i32
      %add3A_21 = arith.addi %mul3A_18, %mul3A_20 : i32
      "tpu.region"() ({
        %run_scoped3A = tpu.sem_alloc : memref<!tpu.dma_semaphore, #tpu.memory_space<semaphore_mem>>
        %dma_start3A = arith.constant 0 : i32
        %dma_start3A_25 = tpu.memref_slice %arg15[%add3A_21, %dma_start3A] : memref<10112x128xf32, #tpu.memory_space<vmem_shared>> -> memref<8x128xf32, #tpu.memory_space<vmem_shared>>
        %dma_start3A_26 = arith.constant 0 : i32
        %dma_start3A_27 = tpu.memref_slice %arg15[%add3A_21, %dma_start3A_26] : memref<10112x128xf32, #tpu.memory_space<vmem_shared>> -> memref<8x128xf32, #tpu.memory_space<vmem_shared>>
        tpu.enqueue_dma source(%dma_start3A_27 : memref<8x128xf32, #tpu.memory_space<vmem_shared>>) target(%arg14 : memref<8x128xf32, #tpu.memory_space<vmem>>) target_semaphore(%run_scoped3A : memref<!tpu.dma_semaphore, #tpu.memory_space<semaphore_mem>>)
        %dma_wait3A = arith.constant 0 : i32
        %dma_wait3A_28 = tpu.memref_slice %arg15[%add3A_21, %dma_wait3A] : memref<10112x128xf32, #tpu.memory_space<vmem_shared>> -> memref<8x128xf32, #tpu.memory_space<vmem_shared>>
        %dma_wait3A_29 = arith.constant 0 : i32
        %dma_wait3A_30 = tpu.memref_slice %arg15[%add3A_21, %dma_wait3A_29] : memref<10112x128xf32, #tpu.memory_space<vmem_shared>> -> memref<8x128xf32, #tpu.memory_space<vmem_shared>>
        tpu.wait_dma2 semaphore(%run_scoped3A : memref<!tpu.dma_semaphore, #tpu.memory_space<semaphore_mem>>) src(%dma_wait3A_30 : memref<8x128xf32, #tpu.memory_space<vmem_shared>>) dst(%arg14 : memref<8x128xf32, #tpu.memory_space<vmem>>)
        tpu.yield
      }) : () -> ()
      %mul3A_22 = arith.constant 10112 : i32
      %mul3A_23 = arith.muli %arg0, %mul3A_22 : i32
      %add3A_24 = arith.addi %mul3A_23, %add3A_21 : i32
      "tpu.region"() ({
        %run_scoped3A = tpu.sem_alloc : memref<!tpu.dma_semaphore, #tpu.memory_space<semaphore_mem>>
        %dma_start3A = arith.constant 0 : i32
        %dma_start3A_25 = tpu.memref_slice %arg8[%add3A_24, %dma_start3A] : memref<20224x128xf32, #tpu.memory_space<hbm>> -> memref<8x128xf32, #tpu.memory_space<hbm>>
        %dma_start3A_26 = arith.constant 0 : i32
        %dma_start3A_27 = tpu.memref_slice %arg8[%add3A_24, %dma_start3A_26] : memref<20224x128xf32, #tpu.memory_space<hbm>> -> memref<8x128xf32, #tpu.memory_space<hbm>>
        tpu.enqueue_dma source(%arg14 : memref<8x128xf32, #tpu.memory_space<vmem>>) target(%dma_start3A_27 : memref<8x128xf32, #tpu.memory_space<hbm>>) target_semaphore(%run_scoped3A : memref<!tpu.dma_semaphore, #tpu.memory_space<semaphore_mem>>)
        %dma_wait3A = arith.constant 0 : i32
        %dma_wait3A_28 = tpu.memref_slice %arg8[%add3A_24, %dma_wait3A] : memref<20224x128xf32, #tpu.memory_space<hbm>> -> memref<8x128xf32, #tpu.memory_space<hbm>>
        %dma_wait3A_29 = arith.constant 0 : i32
        %dma_wait3A_30 = tpu.memref_slice %arg8[%add3A_24, %dma_wait3A_29] : memref<20224x128xf32, #tpu.memory_space<hbm>> -> memref<8x128xf32, #tpu.memory_space<hbm>>
        tpu.wait_dma2 semaphore(%run_scoped3A : memref<!tpu.dma_semaphore, #tpu.memory_space<semaphore_mem>>) src(%arg14 : memref<8x128xf32, #tpu.memory_space<vmem>>) dst(%dma_wait3A_30 : memref<8x128xf32, #tpu.memory_space<hbm>>)
        tpu.yield
      }) : () -> ()
    }
    %scan3A_15 = arith.constant 79 : i32
    return
  }
}

#map = affine_map<(d0, d1) -> (0, 0)>
#map1 = affine_map<(d0, d1) -> (0)>
module attributes {stable_mosaic.version = 14 : i64} {
  func.func @_sc_pass1(%arg0: i32, %arg1: i32, %arg2: memref<10112x128xf32, #tpu.memory_space<hbm>>, %arg3: memref<323584xi32, #tpu.memory_space<hbm>>, %arg4: memref<323584xi32, #tpu.memory_space<hbm>>, %arg5: memref<8x128xf32, #tpu.memory_space<hbm>>, %arg6: memref<20224x128xf32, #tpu.memory_space<hbm>>, %arg7: memref<128xi32, #tpu.memory_space<vmem>>, %arg8: memref<128xi32, #tpu.memory_space<vmem>>, %arg9: memref<128x128xf32, #tpu.memory_space<vmem>>, %arg10: memref<8x128xf32, #tpu.memory_space<vmem>>, %arg11: memref<10112x128xf32, #tpu.memory_space<vmem_shared>>, %arg12: memref<!tpu.dma_semaphore, #tpu.memory_space<semaphore_mem>>) attributes {dimension_semantics = [#tpu.dimension_semantics<core_parallel>, #tpu.dimension_semantics<subcore_parallel>], iteration_bounds = array<i64: 2, 16>, scalar_prefetch = 0 : i64, scratch_operands = 6 : i64, tpu.core_type = #tpu.core_type<sc_vector_subcore>, window_params = [{transform_indices = #map}, {transform_indices = #map1}, {transform_indices = #map1}, {transform_indices = #map}, {transform_indices = #map}]} {
    %mul3A = arith.constant 16 : i32
    %mul3A_0 = arith.muli %arg0, %mul3A : i32
    %add3A = arith.addi %mul3A_0, %arg1 : i32
    "tpu.region"() ({
      %run_scoped3A = tpu.sem_alloc : memref<!tpu.dma_semaphore, #tpu.memory_space<semaphore_mem>>
      tpu.enqueue_dma source(%arg5 : memref<8x128xf32, #tpu.memory_space<hbm>>) target(%arg10 : memref<8x128xf32, #tpu.memory_space<vmem>>) target_semaphore(%run_scoped3A : memref<!tpu.dma_semaphore, #tpu.memory_space<semaphore_mem>>)
      tpu.wait_dma2 semaphore(%run_scoped3A : memref<!tpu.dma_semaphore, #tpu.memory_space<semaphore_mem>>) src(%arg5 : memref<8x128xf32, #tpu.memory_space<hbm>>) dst(%arg10 : memref<8x128xf32, #tpu.memory_space<vmem>>)
      tpu.yield
    }) : () -> ()
    %scan3A = arith.constant 0 : i32
    %scan3A_1 = arith.constant 79 : i32
    %scan3A_2 = arith.addi %scan3A, %scan3A_1 : i32
    %scan3A_3 = arith.constant 1 : i32
    scf.for %scan3A_16 = %scan3A to %scan3A_2 step %scan3A_3  : i32 {
      %mul3A_17 = arith.constant 632 : i32
      %mul3A_18 = arith.muli %arg1, %mul3A_17 : i32
      %mul3A_19 = arith.constant 8 : i32
      %mul3A_20 = arith.muli %scan3A_16, %mul3A_19 : i32
      %add3A_21 = arith.addi %mul3A_18, %mul3A_20 : i32
      "tpu.region"() ({
        %run_scoped3A = tpu.sem_alloc : memref<!tpu.dma_semaphore, #tpu.memory_space<semaphore_mem>>
        %dma_start3A = arith.constant 0 : i32
        %dma_start3A_22 = tpu.memref_slice %arg11[%add3A_21, %dma_start3A] : memref<10112x128xf32, #tpu.memory_space<vmem_shared>> -> memref<8x128xf32, #tpu.memory_space<vmem_shared>>
        %dma_start3A_23 = arith.constant 0 : i32
        %dma_start3A_24 = tpu.memref_slice %arg11[%add3A_21, %dma_start3A_23] : memref<10112x128xf32, #tpu.memory_space<vmem_shared>> -> memref<8x128xf32, #tpu.memory_space<vmem_shared>>
        tpu.enqueue_dma source(%arg10 : memref<8x128xf32, #tpu.memory_space<vmem>>) target(%dma_start3A_24 : memref<8x128xf32, #tpu.memory_space<vmem_shared>>) target_semaphore(%run_scoped3A : memref<!tpu.dma_semaphore, #tpu.memory_space<semaphore_mem>>)
        %dma_wait3A = arith.constant 0 : i32
        %dma_wait3A_25 = tpu.memref_slice %arg11[%add3A_21, %dma_wait3A] : memref<10112x128xf32, #tpu.memory_space<vmem_shared>> -> memref<8x128xf32, #tpu.memory_space<vmem_shared>>
        %dma_wait3A_26 = arith.constant 0 : i32
        %dma_wait3A_27 = tpu.memref_slice %arg11[%add3A_21, %dma_wait3A_26] : memref<10112x128xf32, #tpu.memory_space<vmem_shared>> -> memref<8x128xf32, #tpu.memory_space<vmem_shared>>
        tpu.wait_dma2 semaphore(%run_scoped3A : memref<!tpu.dma_semaphore, #tpu.memory_space<semaphore_mem>>) src(%arg10 : memref<8x128xf32, #tpu.memory_space<vmem>>) dst(%dma_wait3A_27 : memref<8x128xf32, #tpu.memory_space<vmem_shared>>)
        tpu.yield
      }) : () -> ()
    }
    %scan3A_4 = arith.constant 79 : i32
    %barrier3A = arith.constant 0 : index
    tpu.barrier barrier_id(%barrier3A)
    %scan3A_5 = arith.constant 0 : i32
    %scan3A_6 = arith.constant 79 : i32
    %scan3A_7 = arith.addi %scan3A_5, %scan3A_6 : i32
    %scan3A_8 = arith.constant 1 : i32
    scf.for %scan3A_16 = %scan3A_5 to %scan3A_7 step %scan3A_8  : i32 {
      %mul3A_17 = arith.constant 10112 : i32
      %mul3A_18 = arith.muli %add3A, %mul3A_17 : i32
      %mul3A_19 = arith.constant 128 : i32
      %mul3A_20 = arith.muli %scan3A_16, %mul3A_19 : i32
      %add3A_21 = arith.addi %mul3A_18, %mul3A_20 : i32
      "tpu.region"() ({
        %run_scoped3A = tpu.sem_alloc : memref<!tpu.dma_semaphore, #tpu.memory_space<semaphore_mem>>
        %dma_start3A_26 = tpu.memref_slice %arg3[%add3A_21] : memref<323584xi32, #tpu.memory_space<hbm>> -> memref<128xi32, #tpu.memory_space<hbm>>
        %dma_start3A_27 = tpu.memref_slice %arg3[%add3A_21] : memref<323584xi32, #tpu.memory_space<hbm>> -> memref<128xi32, #tpu.memory_space<hbm>>
        tpu.enqueue_dma source(%dma_start3A_27 : memref<128xi32, #tpu.memory_space<hbm>>) target(%arg7 : memref<128xi32, #tpu.memory_space<vmem>>) target_semaphore(%run_scoped3A : memref<!tpu.dma_semaphore, #tpu.memory_space<semaphore_mem>>)
        %dma_wait3A_28 = tpu.memref_slice %arg3[%add3A_21] : memref<323584xi32, #tpu.memory_space<hbm>> -> memref<128xi32, #tpu.memory_space<hbm>>
        %dma_wait3A_29 = tpu.memref_slice %arg3[%add3A_21] : memref<323584xi32, #tpu.memory_space<hbm>> -> memref<128xi32, #tpu.memory_space<hbm>>
        tpu.wait_dma2 semaphore(%run_scoped3A : memref<!tpu.dma_semaphore, #tpu.memory_space<semaphore_mem>>) src(%dma_wait3A_29 : memref<128xi32, #tpu.memory_space<hbm>>) dst(%arg7 : memref<128xi32, #tpu.memory_space<vmem>>)
        tpu.yield
      }) : () -> ()
      "tpu.region"() ({
        %run_scoped3A = tpu.sem_alloc : memref<!tpu.dma_semaphore, #tpu.memory_space<semaphore_mem>>
        %dma_start3A_26 = tpu.memref_slice %arg4[%add3A_21] : memref<323584xi32, #tpu.memory_space<hbm>> -> memref<128xi32, #tpu.memory_space<hbm>>
        %dma_start3A_27 = tpu.memref_slice %arg4[%add3A_21] : memref<323584xi32, #tpu.memory_space<hbm>> -> memref<128xi32, #tpu.memory_space<hbm>>
        tpu.enqueue_dma source(%dma_start3A_27 : memref<128xi32, #tpu.memory_space<hbm>>) target(%arg8 : memref<128xi32, #tpu.memory_space<vmem>>) target_semaphore(%run_scoped3A : memref<!tpu.dma_semaphore, #tpu.memory_space<semaphore_mem>>)
        %dma_wait3A_28 = tpu.memref_slice %arg4[%add3A_21] : memref<323584xi32, #tpu.memory_space<hbm>> -> memref<128xi32, #tpu.memory_space<hbm>>
        %dma_wait3A_29 = tpu.memref_slice %arg4[%add3A_21] : memref<323584xi32, #tpu.memory_space<hbm>> -> memref<128xi32, #tpu.memory_space<hbm>>
        tpu.wait_dma2 semaphore(%run_scoped3A : memref<!tpu.dma_semaphore, #tpu.memory_space<semaphore_mem>>) src(%dma_wait3A_29 : memref<128xi32, #tpu.memory_space<hbm>>) dst(%arg8 : memref<128xi32, #tpu.memory_space<vmem>>)
        tpu.yield
      }) : () -> ()
      %dma_start3A = arith.constant 0 : i32
      %dma_start3A_22 = arith.constant 0 : i32
      %dma_start3A_23 = tpu.memref_slice %arg2[%dma_start3A, %dma_start3A_22] : memref<10112x128xf32, #tpu.memory_space<hbm>> -> memref<10112x128xf32, #tpu.memory_space<hbm>>
      tpu.enqueue_indirect_dma source(%dma_start3A_23 : memref<10112x128xf32, #tpu.memory_space<hbm>>) target(%arg9 : memref<128x128xf32, #tpu.memory_space<vmem>>) offsets(%arg7 : memref<128xi32, #tpu.memory_space<vmem>>) semaphore(%arg12 : memref<!tpu.dma_semaphore, #tpu.memory_space<semaphore_mem>>)
      %dma_wait3A = arith.constant 0 : i32
      %dma_wait3A_24 = arith.constant 0 : i32
      %dma_wait3A_25 = tpu.memref_slice %arg2[%dma_wait3A, %dma_wait3A_24] : memref<10112x128xf32, #tpu.memory_space<hbm>> -> memref<10112x128xf32, #tpu.memory_space<hbm>>
      tpu.wait_indirect_dma semaphore(%arg12 : memref<!tpu.dma_semaphore, #tpu.memory_space<semaphore_mem>>) src(%dma_wait3A_25 : memref<10112x128xf32, #tpu.memory_space<hbm>>) dst(%arg9 : memref<128x128xf32, #tpu.memory_space<vmem>>)
      "tpu.region"() ({
        %run_scoped3A = tpu.sem_alloc : memref<!tpu.dma_semaphore, #tpu.memory_space<semaphore_mem>>
        %dma_start3A_26 = arith.constant 0 : i32
        %dma_start3A_27 = arith.constant 0 : i32
        %dma_start3A_28 = tpu.memref_slice %arg11[%dma_start3A_26, %dma_start3A_27] : memref<10112x128xf32, #tpu.memory_space<vmem_shared>> -> memref<10112x128xf32, #tpu.memory_space<vmem_shared>>
        tpu.enqueue_indirect_dma source(%arg9 : memref<128x128xf32, #tpu.memory_space<vmem>>) target(%dma_start3A_28 : memref<10112x128xf32, #tpu.memory_space<vmem_shared>>) offsets(%arg8 : memref<128xi32, #tpu.memory_space<vmem>>) semaphore(%run_scoped3A : memref<!tpu.dma_semaphore, #tpu.memory_space<semaphore_mem>>) {add = true}
        %dma_wait3A_29 = arith.constant 0 : i32
        %dma_wait3A_30 = arith.constant 0 : i32
        %dma_wait3A_31 = tpu.memref_slice %arg11[%dma_wait3A_29, %dma_wait3A_30] : memref<10112x128xf32, #tpu.memory_space<vmem_shared>> -> memref<10112x128xf32, #tpu.memory_space<vmem_shared>>
        tpu.wait_indirect_dma semaphore(%run_scoped3A : memref<!tpu.dma_semaphore, #tpu.memory_space<semaphore_mem>>) src(%arg9 : memref<128x128xf32, #tpu.memory_space<vmem>>) dst(%dma_wait3A_31 : memref<10112x128xf32, #tpu.memory_space<vmem_shared>>)
        tpu.yield
      }) : () -> ()
    }
    %scan3A_9 = arith.constant 79 : i32
    %barrier3A_10 = arith.constant 0 : index
    tpu.barrier barrier_id(%barrier3A_10)
    %scan3A_11 = arith.constant 0 : i32
    %scan3A_12 = arith.constant 79 : i32
    %scan3A_13 = arith.addi %scan3A_11, %scan3A_12 : i32
    %scan3A_14 = arith.constant 1 : i32
    scf.for %scan3A_16 = %scan3A_11 to %scan3A_13 step %scan3A_14  : i32 {
      %mul3A_17 = arith.constant 632 : i32
      %mul3A_18 = arith.muli %arg1, %mul3A_17 : i32
      %mul3A_19 = arith.constant 8 : i32
      %mul3A_20 = arith.muli %scan3A_16, %mul3A_19 : i32
      %add3A_21 = arith.addi %mul3A_18, %mul3A_20 : i32
      "tpu.region"() ({
        %run_scoped3A = tpu.sem_alloc : memref<!tpu.dma_semaphore, #tpu.memory_space<semaphore_mem>>
        %dma_start3A = arith.constant 0 : i32
        %dma_start3A_25 = tpu.memref_slice %arg11[%add3A_21, %dma_start3A] : memref<10112x128xf32, #tpu.memory_space<vmem_shared>> -> memref<8x128xf32, #tpu.memory_space<vmem_shared>>
        %dma_start3A_26 = arith.constant 0 : i32
        %dma_start3A_27 = tpu.memref_slice %arg11[%add3A_21, %dma_start3A_26] : memref<10112x128xf32, #tpu.memory_space<vmem_shared>> -> memref<8x128xf32, #tpu.memory_space<vmem_shared>>
        tpu.enqueue_dma source(%dma_start3A_27 : memref<8x128xf32, #tpu.memory_space<vmem_shared>>) target(%arg10 : memref<8x128xf32, #tpu.memory_space<vmem>>) target_semaphore(%run_scoped3A : memref<!tpu.dma_semaphore, #tpu.memory_space<semaphore_mem>>)
        %dma_wait3A = arith.constant 0 : i32
        %dma_wait3A_28 = tpu.memref_slice %arg11[%add3A_21, %dma_wait3A] : memref<10112x128xf32, #tpu.memory_space<vmem_shared>> -> memref<8x128xf32, #tpu.memory_space<vmem_shared>>
        %dma_wait3A_29 = arith.constant 0 : i32
        %dma_wait3A_30 = tpu.memref_slice %arg11[%add3A_21, %dma_wait3A_29] : memref<10112x128xf32, #tpu.memory_space<vmem_shared>> -> memref<8x128xf32, #tpu.memory_space<vmem_shared>>
        tpu.wait_dma2 semaphore(%run_scoped3A : memref<!tpu.dma_semaphore, #tpu.memory_space<semaphore_mem>>) src(%dma_wait3A_30 : memref<8x128xf32, #tpu.memory_space<vmem_shared>>) dst(%arg10 : memref<8x128xf32, #tpu.memory_space<vmem>>)
        tpu.yield
      }) : () -> ()
      %mul3A_22 = arith.constant 10112 : i32
      %mul3A_23 = arith.muli %arg0, %mul3A_22 : i32
      %add3A_24 = arith.addi %mul3A_23, %add3A_21 : i32
      "tpu.region"() ({
        %run_scoped3A = tpu.sem_alloc : memref<!tpu.dma_semaphore, #tpu.memory_space<semaphore_mem>>
        %dma_start3A = arith.constant 0 : i32
        %dma_start3A_25 = tpu.memref_slice %arg6[%add3A_24, %dma_start3A] : memref<20224x128xf32, #tpu.memory_space<hbm>> -> memref<8x128xf32, #tpu.memory_space<hbm>>
        %dma_start3A_26 = arith.constant 0 : i32
        %dma_start3A_27 = tpu.memref_slice %arg6[%add3A_24, %dma_start3A_26] : memref<20224x128xf32, #tpu.memory_space<hbm>> -> memref<8x128xf32, #tpu.memory_space<hbm>>
        tpu.enqueue_dma source(%arg10 : memref<8x128xf32, #tpu.memory_space<vmem>>) target(%dma_start3A_27 : memref<8x128xf32, #tpu.memory_space<hbm>>) target_semaphore(%run_scoped3A : memref<!tpu.dma_semaphore, #tpu.memory_space<semaphore_mem>>)
        %dma_wait3A = arith.constant 0 : i32
        %dma_wait3A_28 = tpu.memref_slice %arg6[%add3A_24, %dma_wait3A] : memref<20224x128xf32, #tpu.memory_space<hbm>> -> memref<8x128xf32, #tpu.memory_space<hbm>>
        %dma_wait3A_29 = arith.constant 0 : i32
        %dma_wait3A_30 = tpu.memref_slice %arg6[%add3A_24, %dma_wait3A_29] : memref<20224x128xf32, #tpu.memory_space<hbm>> -> memref<8x128xf32, #tpu.memory_space<hbm>>
        tpu.wait_dma2 semaphore(%run_scoped3A : memref<!tpu.dma_semaphore, #tpu.memory_space<semaphore_mem>>) src(%arg10 : memref<8x128xf32, #tpu.memory_space<vmem>>) dst(%dma_wait3A_30 : memref<8x128xf32, #tpu.memory_space<hbm>>)
        tpu.yield
      }) : () -> ()
    }
    %scan3A_15 = arith.constant 79 : i32
    return
  }
}

#map = affine_map<(d0, d1) -> (0)>
#map1 = affine_map<(d0, d1) -> (0, 0)>
module attributes {stable_mosaic.version = 14 : i64} {
  func.func @_sc_deg(%arg0: i32, %arg1: i32, %arg2: memref<323584xi32, #tpu.memory_space<hbm>>, %arg3: memref<8x128xf32, #tpu.memory_space<hbm>>, %arg4: memref<128x128xf32, #tpu.memory_space<hbm>>, %arg5: memref<20224x128xf32, #tpu.memory_space<hbm>>, %arg6: memref<128xi32, #tpu.memory_space<vmem>>, %arg7: memref<128x128xf32, #tpu.memory_space<vmem>>, %arg8: memref<8x128xf32, #tpu.memory_space<vmem>>, %arg9: memref<10112x128xf32, #tpu.memory_space<vmem_shared>>, %arg10: memref<!tpu.dma_semaphore, #tpu.memory_space<semaphore_mem>>) attributes {dimension_semantics = [#tpu.dimension_semantics<core_parallel>, #tpu.dimension_semantics<subcore_parallel>], iteration_bounds = array<i64: 2, 16>, scalar_prefetch = 0 : i64, scratch_operands = 5 : i64, tpu.core_type = #tpu.core_type<sc_vector_subcore>, window_params = [{transform_indices = #map}, {transform_indices = #map1}, {transform_indices = #map1}, {transform_indices = #map1}]} {
    %mul3A = arith.constant 16 : i32
    %mul3A_0 = arith.muli %arg0, %mul3A : i32
    %add3A = arith.addi %mul3A_0, %arg1 : i32
    "tpu.region"() ({
      %run_scoped3A = tpu.sem_alloc : memref<!tpu.dma_semaphore, #tpu.memory_space<semaphore_mem>>
      tpu.enqueue_dma source(%arg3 : memref<8x128xf32, #tpu.memory_space<hbm>>) target(%arg8 : memref<8x128xf32, #tpu.memory_space<vmem>>) target_semaphore(%run_scoped3A : memref<!tpu.dma_semaphore, #tpu.memory_space<semaphore_mem>>)
      tpu.wait_dma2 semaphore(%run_scoped3A : memref<!tpu.dma_semaphore, #tpu.memory_space<semaphore_mem>>) src(%arg3 : memref<8x128xf32, #tpu.memory_space<hbm>>) dst(%arg8 : memref<8x128xf32, #tpu.memory_space<vmem>>)
      tpu.yield
    }) : () -> ()
    %scan3A = arith.constant 0 : i32
    %scan3A_1 = arith.constant 79 : i32
    %scan3A_2 = arith.addi %scan3A, %scan3A_1 : i32
    %scan3A_3 = arith.constant 1 : i32
    scf.for %scan3A_16 = %scan3A to %scan3A_2 step %scan3A_3  : i32 {
      %mul3A_17 = arith.constant 632 : i32
      %mul3A_18 = arith.muli %arg1, %mul3A_17 : i32
      %mul3A_19 = arith.constant 8 : i32
      %mul3A_20 = arith.muli %scan3A_16, %mul3A_19 : i32
      %add3A_21 = arith.addi %mul3A_18, %mul3A_20 : i32
      "tpu.region"() ({
        %run_scoped3A = tpu.sem_alloc : memref<!tpu.dma_semaphore, #tpu.memory_space<semaphore_mem>>
        %dma_start3A = arith.constant 0 : i32
        %dma_start3A_22 = tpu.memref_slice %arg9[%add3A_21, %dma_start3A] : memref<10112x128xf32, #tpu.memory_space<vmem_shared>> -> memref<8x128xf32, #tpu.memory_space<vmem_shared>>
        %dma_start3A_23 = arith.constant 0 : i32
        %dma_start3A_24 = tpu.memref_slice %arg9[%add3A_21, %dma_start3A_23] : memref<10112x128xf32, #tpu.memory_space<vmem_shared>> -> memref<8x128xf32, #tpu.memory_space<vmem_shared>>
        tpu.enqueue_dma source(%arg8 : memref<8x128xf32, #tpu.memory_space<vmem>>) target(%dma_start3A_24 : memref<8x128xf32, #tpu.memory_space<vmem_shared>>) target_semaphore(%run_scoped3A : memref<!tpu.dma_semaphore, #tpu.memory_space<semaphore_mem>>)
        %dma_wait3A = arith.constant 0 : i32
        %dma_wait3A_25 = tpu.memref_slice %arg9[%add3A_21, %dma_wait3A] : memref<10112x128xf32, #tpu.memory_space<vmem_shared>> -> memref<8x128xf32, #tpu.memory_space<vmem_shared>>
        %dma_wait3A_26 = arith.constant 0 : i32
        %dma_wait3A_27 = tpu.memref_slice %arg9[%add3A_21, %dma_wait3A_26] : memref<10112x128xf32, #tpu.memory_space<vmem_shared>> -> memref<8x128xf32, #tpu.memory_space<vmem_shared>>
        tpu.wait_dma2 semaphore(%run_scoped3A : memref<!tpu.dma_semaphore, #tpu.memory_space<semaphore_mem>>) src(%arg8 : memref<8x128xf32, #tpu.memory_space<vmem>>) dst(%dma_wait3A_27 : memref<8x128xf32, #tpu.memory_space<vmem_shared>>)
        tpu.yield
      }) : () -> ()
    }
    %scan3A_4 = arith.constant 79 : i32
    "tpu.region"() ({
      %run_scoped3A = tpu.sem_alloc : memref<!tpu.dma_semaphore, #tpu.memory_space<semaphore_mem>>
      tpu.enqueue_dma source(%arg4 : memref<128x128xf32, #tpu.memory_space<hbm>>) target(%arg7 : memref<128x128xf32, #tpu.memory_space<vmem>>) target_semaphore(%run_scoped3A : memref<!tpu.dma_semaphore, #tpu.memory_space<semaphore_mem>>)
      tpu.wait_dma2 semaphore(%run_scoped3A : memref<!tpu.dma_semaphore, #tpu.memory_space<semaphore_mem>>) src(%arg4 : memref<128x128xf32, #tpu.memory_space<hbm>>) dst(%arg7 : memref<128x128xf32, #tpu.memory_space<vmem>>)
      tpu.yield
    }) : () -> ()
    %barrier3A = arith.constant 0 : index
    tpu.barrier barrier_id(%barrier3A)
    %scan3A_5 = arith.constant 0 : i32
    %scan3A_6 = arith.constant 79 : i32
    %scan3A_7 = arith.addi %scan3A_5, %scan3A_6 : i32
    %scan3A_8 = arith.constant 1 : i32
    scf.for %scan3A_16 = %scan3A_5 to %scan3A_7 step %scan3A_8  : i32 {
      %mul3A_17 = arith.constant 10112 : i32
      %mul3A_18 = arith.muli %add3A, %mul3A_17 : i32
      %mul3A_19 = arith.constant 128 : i32
      %mul3A_20 = arith.muli %scan3A_16, %mul3A_19 : i32
      %add3A_21 = arith.addi %mul3A_18, %mul3A_20 : i32
      "tpu.region"() ({
        %run_scoped3A = tpu.sem_alloc : memref<!tpu.dma_semaphore, #tpu.memory_space<semaphore_mem>>
        %dma_start3A = tpu.memref_slice %arg2[%add3A_21] : memref<323584xi32, #tpu.memory_space<hbm>> -> memref<128xi32, #tpu.memory_space<hbm>>
        %dma_start3A_22 = tpu.memref_slice %arg2[%add3A_21] : memref<323584xi32, #tpu.memory_space<hbm>> -> memref<128xi32, #tpu.memory_space<hbm>>
        tpu.enqueue_dma source(%dma_start3A_22 : memref<128xi32, #tpu.memory_space<hbm>>) target(%arg6 : memref<128xi32, #tpu.memory_space<vmem>>) target_semaphore(%run_scoped3A : memref<!tpu.dma_semaphore, #tpu.memory_space<semaphore_mem>>)
        %dma_wait3A = tpu.memref_slice %arg2[%add3A_21] : memref<323584xi32, #tpu.memory_space<hbm>> -> memref<128xi32, #tpu.memory_space<hbm>>
        %dma_wait3A_23 = tpu.memref_slice %arg2[%add3A_21] : memref<323584xi32, #tpu.memory_space<hbm>> -> memref<128xi32, #tpu.memory_space<hbm>>
        tpu.wait_dma2 semaphore(%run_scoped3A : memref<!tpu.dma_semaphore, #tpu.memory_space<semaphore_mem>>) src(%dma_wait3A_23 : memref<128xi32, #tpu.memory_space<hbm>>) dst(%arg6 : memref<128xi32, #tpu.memory_space<vmem>>)
        tpu.yield
      }) : () -> ()
      "tpu.region"() ({
        %run_scoped3A = tpu.sem_alloc : memref<!tpu.dma_semaphore, #tpu.memory_space<semaphore_mem>>
        %dma_start3A = arith.constant 0 : i32
        %dma_start3A_22 = arith.constant 0 : i32
        %dma_start3A_23 = tpu.memref_slice %arg9[%dma_start3A, %dma_start3A_22] : memref<10112x128xf32, #tpu.memory_space<vmem_shared>> -> memref<10112x128xf32, #tpu.memory_space<vmem_shared>>
        tpu.enqueue_indirect_dma source(%arg7 : memref<128x128xf32, #tpu.memory_space<vmem>>) target(%dma_start3A_23 : memref<10112x128xf32, #tpu.memory_space<vmem_shared>>) offsets(%arg6 : memref<128xi32, #tpu.memory_space<vmem>>) semaphore(%run_scoped3A : memref<!tpu.dma_semaphore, #tpu.memory_space<semaphore_mem>>) {add = true}
        %dma_wait3A = arith.constant 0 : i32
        %dma_wait3A_24 = arith.constant 0 : i32
        %dma_wait3A_25 = tpu.memref_slice %arg9[%dma_wait3A, %dma_wait3A_24] : memref<10112x128xf32, #tpu.memory_space<vmem_shared>> -> memref<10112x128xf32, #tpu.memory_space<vmem_shared>>
        tpu.wait_indirect_dma semaphore(%run_scoped3A : memref<!tpu.dma_semaphore, #tpu.memory_space<semaphore_mem>>) src(%arg7 : memref<128x128xf32, #tpu.memory_space<vmem>>) dst(%dma_wait3A_25 : memref<10112x128xf32, #tpu.memory_space<vmem_shared>>)
        tpu.yield
      }) : () -> ()
    }
    %scan3A_9 = arith.constant 79 : i32
    %barrier3A_10 = arith.constant 0 : index
    tpu.barrier barrier_id(%barrier3A_10)
    %scan3A_11 = arith.constant 0 : i32
    %scan3A_12 = arith.constant 79 : i32
    %scan3A_13 = arith.addi %scan3A_11, %scan3A_12 : i32
    %scan3A_14 = arith.constant 1 : i32
    scf.for %scan3A_16 = %scan3A_11 to %scan3A_13 step %scan3A_14  : i32 {
      %mul3A_17 = arith.constant 632 : i32
      %mul3A_18 = arith.muli %arg1, %mul3A_17 : i32
      %mul3A_19 = arith.constant 8 : i32
      %mul3A_20 = arith.muli %scan3A_16, %mul3A_19 : i32
      %add3A_21 = arith.addi %mul3A_18, %mul3A_20 : i32
      "tpu.region"() ({
        %run_scoped3A = tpu.sem_alloc : memref<!tpu.dma_semaphore, #tpu.memory_space<semaphore_mem>>
        %dma_start3A = arith.constant 0 : i32
        %dma_start3A_25 = tpu.memref_slice %arg9[%add3A_21, %dma_start3A] : memref<10112x128xf32, #tpu.memory_space<vmem_shared>> -> memref<8x128xf32, #tpu.memory_space<vmem_shared>>
        %dma_start3A_26 = arith.constant 0 : i32
        %dma_start3A_27 = tpu.memref_slice %arg9[%add3A_21, %dma_start3A_26] : memref<10112x128xf32, #tpu.memory_space<vmem_shared>> -> memref<8x128xf32, #tpu.memory_space<vmem_shared>>
        tpu.enqueue_dma source(%dma_start3A_27 : memref<8x128xf32, #tpu.memory_space<vmem_shared>>) target(%arg8 : memref<8x128xf32, #tpu.memory_space<vmem>>) target_semaphore(%run_scoped3A : memref<!tpu.dma_semaphore, #tpu.memory_space<semaphore_mem>>)
        %dma_wait3A = arith.constant 0 : i32
        %dma_wait3A_28 = tpu.memref_slice %arg9[%add3A_21, %dma_wait3A] : memref<10112x128xf32, #tpu.memory_space<vmem_shared>> -> memref<8x128xf32, #tpu.memory_space<vmem_shared>>
        %dma_wait3A_29 = arith.constant 0 : i32
        %dma_wait3A_30 = tpu.memref_slice %arg9[%add3A_21, %dma_wait3A_29] : memref<10112x128xf32, #tpu.memory_space<vmem_shared>> -> memref<8x128xf32, #tpu.memory_space<vmem_shared>>
        tpu.wait_dma2 semaphore(%run_scoped3A : memref<!tpu.dma_semaphore, #tpu.memory_space<semaphore_mem>>) src(%dma_wait3A_30 : memref<8x128xf32, #tpu.memory_space<vmem_shared>>) dst(%arg8 : memref<8x128xf32, #tpu.memory_space<vmem>>)
        tpu.yield
      }) : () -> ()
      %mul3A_22 = arith.constant 10112 : i32
      %mul3A_23 = arith.muli %arg0, %mul3A_22 : i32
      %add3A_24 = arith.addi %mul3A_23, %add3A_21 : i32
      "tpu.region"() ({
        %run_scoped3A = tpu.sem_alloc : memref<!tpu.dma_semaphore, #tpu.memory_space<semaphore_mem>>
        %dma_start3A = arith.constant 0 : i32
        %dma_start3A_25 = tpu.memref_slice %arg5[%add3A_24, %dma_start3A] : memref<20224x128xf32, #tpu.memory_space<hbm>> -> memref<8x128xf32, #tpu.memory_space<hbm>>
        %dma_start3A_26 = arith.constant 0 : i32
        %dma_start3A_27 = tpu.memref_slice %arg5[%add3A_24, %dma_start3A_26] : memref<20224x128xf32, #tpu.memory_space<hbm>> -> memref<8x128xf32, #tpu.memory_space<hbm>>
        tpu.enqueue_dma source(%arg8 : memref<8x128xf32, #tpu.memory_space<vmem>>) target(%dma_start3A_27 : memref<8x128xf32, #tpu.memory_space<hbm>>) target_semaphore(%run_scoped3A : memref<!tpu.dma_semaphore, #tpu.memory_space<semaphore_mem>>)
        %dma_wait3A = arith.constant 0 : i32
        %dma_wait3A_28 = tpu.memref_slice %arg5[%add3A_24, %dma_wait3A] : memref<20224x128xf32, #tpu.memory_space<hbm>> -> memref<8x128xf32, #tpu.memory_space<hbm>>
        %dma_wait3A_29 = arith.constant 0 : i32
        %dma_wait3A_30 = tpu.memref_slice %arg5[%add3A_24, %dma_wait3A_29] : memref<20224x128xf32, #tpu.memory_space<hbm>> -> memref<8x128xf32, #tpu.memory_space<hbm>>
        tpu.wait_dma2 semaphore(%run_scoped3A : memref<!tpu.dma_semaphore, #tpu.memory_space<semaphore_mem>>) src(%arg8 : memref<8x128xf32, #tpu.memory_space<vmem>>) dst(%dma_wait3A_30 : memref<8x128xf32, #tpu.memory_space<hbm>>)
        tpu.yield
      }) : () -> ()
    }
    %scan3A_15 = arith.constant 79 : i32
    return
  }
}

#map = affine_map<(d0, d1) -> (0, 0)>
#map1 = affine_map<(d0, d1) -> (0)>
module attributes {stable_mosaic.version = 14 : i64} {
  func.func @_sc_pass2b(%arg0: i32, %arg1: i32, %arg2: memref<10112x256xf32, #tpu.memory_space<hbm>>, %arg3: memref<10112x128xf32, #tpu.memory_space<hbm>>, %arg4: memref<323584xi32, #tpu.memory_space<hbm>>, %arg5: memref<323584xi32, #tpu.memory_space<hbm>>, %arg6: memref<8x128xf32, #tpu.memory_space<hbm>>, %arg7: memref<20224x128xf32, #tpu.memory_space<hbm>>, %arg8: memref<64xi32, #tpu.memory_space<vmem>>, %arg9: memref<64xi32, #tpu.memory_space<vmem>>, %arg10: memref<64x256xf32, #tpu.memory_space<vmem>>, %arg11: memref<64x128xf32, #tpu.memory_space<vmem>>, %arg12: memref<64x128xf32, #tpu.memory_space<vmem>>, %arg13: memref<8x128xf32, #tpu.memory_space<vmem>>, %arg14: memref<10112x128xf32, #tpu.memory_space<vmem_shared>>, %arg15: memref<!tpu.dma_semaphore, #tpu.memory_space<semaphore_mem>>) attributes {dimension_semantics = [#tpu.dimension_semantics<core_parallel>, #tpu.dimension_semantics<subcore_parallel>], iteration_bounds = array<i64: 2, 16>, scalar_prefetch = 0 : i64, scratch_operands = 8 : i64, tpu.core_type = #tpu.core_type<sc_vector_subcore>, window_params = [{transform_indices = #map}, {transform_indices = #map}, {transform_indices = #map1}, {transform_indices = #map1}, {transform_indices = #map}, {transform_indices = #map}]} {
    %mul3A = arith.constant 16 : i32
    %mul3A_0 = arith.muli %arg0, %mul3A : i32
    %add3A = arith.addi %mul3A_0, %arg1 : i32
    "tpu.region"() ({
      %run_scoped3A = tpu.sem_alloc : memref<!tpu.dma_semaphore, #tpu.memory_space<semaphore_mem>>
      tpu.enqueue_dma source(%arg6 : memref<8x128xf32, #tpu.memory_space<hbm>>) target(%arg13 : memref<8x128xf32, #tpu.memory_space<vmem>>) target_semaphore(%run_scoped3A : memref<!tpu.dma_semaphore, #tpu.memory_space<semaphore_mem>>)
      tpu.wait_dma2 semaphore(%run_scoped3A : memref<!tpu.dma_semaphore, #tpu.memory_space<semaphore_mem>>) src(%arg6 : memref<8x128xf32, #tpu.memory_space<hbm>>) dst(%arg13 : memref<8x128xf32, #tpu.memory_space<vmem>>)
      tpu.yield
    }) : () -> ()
    %scan3A = arith.constant 0 : i32
    %scan3A_1 = arith.constant 79 : i32
    %scan3A_2 = arith.addi %scan3A, %scan3A_1 : i32
    %scan3A_3 = arith.constant 1 : i32
    scf.for %scan3A_16 = %scan3A to %scan3A_2 step %scan3A_3  : i32 {
      %mul3A_17 = arith.constant 632 : i32
      %mul3A_18 = arith.muli %arg1, %mul3A_17 : i32
      %mul3A_19 = arith.constant 8 : i32
      %mul3A_20 = arith.muli %scan3A_16, %mul3A_19 : i32
      %add3A_21 = arith.addi %mul3A_18, %mul3A_20 : i32
      "tpu.region"() ({
        %run_scoped3A = tpu.sem_alloc : memref<!tpu.dma_semaphore, #tpu.memory_space<semaphore_mem>>
        %dma_start3A = arith.constant 0 : i32
        %dma_start3A_22 = tpu.memref_slice %arg14[%add3A_21, %dma_start3A] : memref<10112x128xf32, #tpu.memory_space<vmem_shared>> -> memref<8x128xf32, #tpu.memory_space<vmem_shared>>
        %dma_start3A_23 = arith.constant 0 : i32
        %dma_start3A_24 = tpu.memref_slice %arg14[%add3A_21, %dma_start3A_23] : memref<10112x128xf32, #tpu.memory_space<vmem_shared>> -> memref<8x128xf32, #tpu.memory_space<vmem_shared>>
        tpu.enqueue_dma source(%arg13 : memref<8x128xf32, #tpu.memory_space<vmem>>) target(%dma_start3A_24 : memref<8x128xf32, #tpu.memory_space<vmem_shared>>) target_semaphore(%run_scoped3A : memref<!tpu.dma_semaphore, #tpu.memory_space<semaphore_mem>>)
        %dma_wait3A = arith.constant 0 : i32
        %dma_wait3A_25 = tpu.memref_slice %arg14[%add3A_21, %dma_wait3A] : memref<10112x128xf32, #tpu.memory_space<vmem_shared>> -> memref<8x128xf32, #tpu.memory_space<vmem_shared>>
        %dma_wait3A_26 = arith.constant 0 : i32
        %dma_wait3A_27 = tpu.memref_slice %arg14[%add3A_21, %dma_wait3A_26] : memref<10112x128xf32, #tpu.memory_space<vmem_shared>> -> memref<8x128xf32, #tpu.memory_space<vmem_shared>>
        tpu.wait_dma2 semaphore(%run_scoped3A : memref<!tpu.dma_semaphore, #tpu.memory_space<semaphore_mem>>) src(%arg13 : memref<8x128xf32, #tpu.memory_space<vmem>>) dst(%dma_wait3A_27 : memref<8x128xf32, #tpu.memory_space<vmem_shared>>)
        tpu.yield
      }) : () -> ()
    }
    %scan3A_4 = arith.constant 79 : i32
    %barrier3A = arith.constant 0 : index
    tpu.barrier barrier_id(%barrier3A)
    %scan3A_5 = arith.constant 0 : i32
    %scan3A_6 = arith.constant 158 : i32
    %scan3A_7 = arith.addi %scan3A_5, %scan3A_6 : i32
    %scan3A_8 = arith.constant 1 : i32
    scf.for %scan3A_16 = %scan3A_5 to %scan3A_7 step %scan3A_8  : i32 {
      %mul3A_17 = arith.constant 10112 : i32
      %mul3A_18 = arith.muli %add3A, %mul3A_17 : i32
      %mul3A_19 = arith.constant 64 : i32
      %mul3A_20 = arith.muli %scan3A_16, %mul3A_19 : i32
      %add3A_21 = arith.addi %mul3A_18, %mul3A_20 : i32
      "tpu.region"() ({
        %run_scoped3A = tpu.sem_alloc : memref<!tpu.dma_semaphore, #tpu.memory_space<semaphore_mem>>
        %dma_start3A_37 = tpu.memref_slice %arg4[%add3A_21] : memref<323584xi32, #tpu.memory_space<hbm>> -> memref<64xi32, #tpu.memory_space<hbm>>
        %dma_start3A_38 = tpu.memref_slice %arg4[%add3A_21] : memref<323584xi32, #tpu.memory_space<hbm>> -> memref<64xi32, #tpu.memory_space<hbm>>
        tpu.enqueue_dma source(%dma_start3A_38 : memref<64xi32, #tpu.memory_space<hbm>>) target(%arg8 : memref<64xi32, #tpu.memory_space<vmem>>) target_semaphore(%run_scoped3A : memref<!tpu.dma_semaphore, #tpu.memory_space<semaphore_mem>>)
        %dma_wait3A_39 = tpu.memref_slice %arg4[%add3A_21] : memref<323584xi32, #tpu.memory_space<hbm>> -> memref<64xi32, #tpu.memory_space<hbm>>
        %dma_wait3A_40 = tpu.memref_slice %arg4[%add3A_21] : memref<323584xi32, #tpu.memory_space<hbm>> -> memref<64xi32, #tpu.memory_space<hbm>>
        tpu.wait_dma2 semaphore(%run_scoped3A : memref<!tpu.dma_semaphore, #tpu.memory_space<semaphore_mem>>) src(%dma_wait3A_40 : memref<64xi32, #tpu.memory_space<hbm>>) dst(%arg8 : memref<64xi32, #tpu.memory_space<vmem>>)
        tpu.yield
      }) : () -> ()
      "tpu.region"() ({
        %run_scoped3A = tpu.sem_alloc : memref<!tpu.dma_semaphore, #tpu.memory_space<semaphore_mem>>
        %dma_start3A_37 = tpu.memref_slice %arg5[%add3A_21] : memref<323584xi32, #tpu.memory_space<hbm>> -> memref<64xi32, #tpu.memory_space<hbm>>
        %dma_start3A_38 = tpu.memref_slice %arg5[%add3A_21] : memref<323584xi32, #tpu.memory_space<hbm>> -> memref<64xi32, #tpu.memory_space<hbm>>
        tpu.enqueue_dma source(%dma_start3A_38 : memref<64xi32, #tpu.memory_space<hbm>>) target(%arg9 : memref<64xi32, #tpu.memory_space<vmem>>) target_semaphore(%run_scoped3A : memref<!tpu.dma_semaphore, #tpu.memory_space<semaphore_mem>>)
        %dma_wait3A_39 = tpu.memref_slice %arg5[%add3A_21] : memref<323584xi32, #tpu.memory_space<hbm>> -> memref<64xi32, #tpu.memory_space<hbm>>
        %dma_wait3A_40 = tpu.memref_slice %arg5[%add3A_21] : memref<323584xi32, #tpu.memory_space<hbm>> -> memref<64xi32, #tpu.memory_space<hbm>>
        tpu.wait_dma2 semaphore(%run_scoped3A : memref<!tpu.dma_semaphore, #tpu.memory_space<semaphore_mem>>) src(%dma_wait3A_40 : memref<64xi32, #tpu.memory_space<hbm>>) dst(%arg9 : memref<64xi32, #tpu.memory_space<vmem>>)
        tpu.yield
      }) : () -> ()
      %dma_start3A = arith.constant 0 : i32
      %dma_start3A_22 = arith.constant 0 : i32
      %dma_start3A_23 = tpu.memref_slice %arg2[%dma_start3A, %dma_start3A_22] : memref<10112x256xf32, #tpu.memory_space<hbm>> -> memref<10112x256xf32, #tpu.memory_space<hbm>>
      tpu.enqueue_indirect_dma source(%dma_start3A_23 : memref<10112x256xf32, #tpu.memory_space<hbm>>) target(%arg10 : memref<64x256xf32, #tpu.memory_space<vmem>>) offsets(%arg8 : memref<64xi32, #tpu.memory_space<vmem>>) semaphore(%arg15 : memref<!tpu.dma_semaphore, #tpu.memory_space<semaphore_mem>>)
      %dma_wait3A = arith.constant 0 : i32
      %dma_wait3A_24 = arith.constant 0 : i32
      %dma_wait3A_25 = tpu.memref_slice %arg2[%dma_wait3A, %dma_wait3A_24] : memref<10112x256xf32, #tpu.memory_space<hbm>> -> memref<10112x256xf32, #tpu.memory_space<hbm>>
      tpu.wait_indirect_dma semaphore(%arg15 : memref<!tpu.dma_semaphore, #tpu.memory_space<semaphore_mem>>) src(%dma_wait3A_25 : memref<10112x256xf32, #tpu.memory_space<hbm>>) dst(%arg10 : memref<64x256xf32, #tpu.memory_space<vmem>>)
      %dma_start3A_26 = arith.constant 0 : i32
      %dma_start3A_27 = arith.constant 0 : i32
      %dma_start3A_28 = tpu.memref_slice %arg3[%dma_start3A_26, %dma_start3A_27] : memref<10112x128xf32, #tpu.memory_space<hbm>> -> memref<10112x128xf32, #tpu.memory_space<hbm>>
      tpu.enqueue_indirect_dma source(%dma_start3A_28 : memref<10112x128xf32, #tpu.memory_space<hbm>>) target(%arg11 : memref<64x128xf32, #tpu.memory_space<vmem>>) offsets(%arg9 : memref<64xi32, #tpu.memory_space<vmem>>) semaphore(%arg15 : memref<!tpu.dma_semaphore, #tpu.memory_space<semaphore_mem>>)
      %dma_wait3A_29 = arith.constant 0 : i32
      %dma_wait3A_30 = arith.constant 0 : i32
      %dma_wait3A_31 = tpu.memref_slice %arg3[%dma_wait3A_29, %dma_wait3A_30] : memref<10112x128xf32, #tpu.memory_space<hbm>> -> memref<10112x128xf32, #tpu.memory_space<hbm>>
      tpu.wait_indirect_dma semaphore(%arg15 : memref<!tpu.dma_semaphore, #tpu.memory_space<semaphore_mem>>) src(%dma_wait3A_31 : memref<10112x128xf32, #tpu.memory_space<hbm>>) dst(%arg11 : memref<64x128xf32, #tpu.memory_space<vmem>>)
      %scan3A_32 = arith.constant 0 : i32
      %scan3A_33 = arith.constant 64 : i32
      %scan3A_34 = arith.addi %scan3A_32, %scan3A_33 : i32
      %scan3A_35 = arith.constant 1 : i32
      scf.for %scan3A_37 = %scan3A_32 to %scan3A_34 step %scan3A_35  : i32 {
        %get3A = arith.index_cast %scan3A_37 : i32 to index
        %get3A_38 = arith.constant 128 : index
        %get3A_39 = tpu.vector_load %arg10[%get3A, %get3A_38] {strides = array<i32>} : memref<64x256xf32, #tpu.memory_space<vmem>>, vector<1x16xf32>,
        %get3A_40 = vector.shape_cast %get3A_39 : vector<1x16xf32> to vector<16xf32>
        %get3A_41 = arith.index_cast %scan3A_37 : i32 to index
        %get3A_42 = arith.constant 0 : index
        %get3A_43 = tpu.vector_load %arg11[%get3A_41, %get3A_42] {strides = array<i32>} : memref<64x128xf32, #tpu.memory_space<vmem>>, vector<1x16xf32>,
        %get3A_44 = vector.shape_cast %get3A_43 : vector<1x16xf32> to vector<16xf32>
        %add3A_45 = arith.addf %get3A_40, %get3A_44 : vector<16xf32>
        %mul3A_46 = arith.constant 2.000000e-01 : f32
        %mul3A_47 = vector.broadcast %mul3A_46 : f32 to vector<16xf32>
        %mul3A_48 = arith.mulf %mul3A_47, %add3A_45 : vector<16xf32>
        %max3A = arith.maximumf %add3A_45, %mul3A_48 : vector<16xf32>
        %exp3A = math.exp %max3A : vector<16xf32>
        %slice3A = vector.extract_strided_slice %exp3A {offsets = [0], sizes = [1], strides = [1]} : vector<16xf32> to vector<1xf32>
        %squeeze3A = vector.extract %slice3A[0] : f32 from vector<1xf32>
        %slice3A_49 = vector.extract_strided_slice %get3A_44 {offsets = [4], sizes = [1], strides = [1]} : vector<16xf32> to vector<1xf32>
        %squeeze3A_50 = vector.extract %slice3A_49[0] : f32 from vector<1xf32>
        %mul3A_51 = arith.mulf %squeeze3A, %squeeze3A_50 : f32
        %mul3A_52 = arith.constant 2.500000e-01 : f32
        %mul3A_53 = arith.mulf %mul3A_51, %mul3A_52 : f32
        %get3A_54 = arith.index_cast %scan3A_37 : i32 to index
        %get3A_55 = arith.constant 0 : index
        %get3A_56 = tpu.vector_load %arg10[%get3A_54, %get3A_55] {strides = array<i32>} : memref<64x256xf32, #tpu.memory_space<vmem>>, vector<1x16xf32>,
        %get3A_57 = vector.shape_cast %get3A_56 : vector<1x16xf32> to vector<16xf32>
        %mul3A_58 = vector.broadcast %mul3A_53 : f32 to vector<16xf32>
        %mul3A_59 = arith.mulf %get3A_57, %mul3A_58 : vector<16xf32>
        %swap3A = arith.index_cast %scan3A_37 : i32 to index
        %swap3A_60 = arith.constant 0 : index
        %swap3A_61 = tpu.vector_load %arg12[%swap3A, %swap3A_60] {strides = array<i32>} : memref<64x128xf32, #tpu.memory_space<vmem>>, vector<1x16xf32>,
        %swap3A_62 = vector.shape_cast %swap3A_61 : vector<1x16xf32> to vector<16xf32>
        %swap3A_63 = vector.shape_cast %mul3A_59 : vector<16xf32> to vector<1x16xf32>
        tpu.vector_store %arg12[%swap3A, %swap3A_60], %swap3A_63 {strides = array<i32>} : memref<64x128xf32, #tpu.memory_space<vmem>>, vector<1x16xf32>,
        %get3A_64 = arith.index_cast %scan3A_37 : i32 to index
        %get3A_65 = arith.constant 16 : index
        %get3A_66 = tpu.vector_load %arg10[%get3A_64, %get3A_65] {strides = array<i32>} : memref<64x256xf32, #tpu.memory_space<vmem>>, vector<1x16xf32>,
        %get3A_67 = vector.shape_cast %get3A_66 : vector<1x16xf32> to vector<16xf32>
        %mul3A_68 = vector.broadcast %mul3A_53 : f32 to vector<16xf32>
        %mul3A_69 = arith.mulf %get3A_67, %mul3A_68 : vector<16xf32>
        %swap3A_70 = arith.index_cast %scan3A_37 : i32 to index
        %swap3A_71 = arith.constant 16 : index
        %swap3A_72 = tpu.vector_load %arg12[%swap3A_70, %swap3A_71] {strides = array<i32>} : memref<64x128xf32, #tpu.memory_space<vmem>>, vector<1x16xf32>,
        %swap3A_73 = vector.shape_cast %swap3A_72 : vector<1x16xf32> to vector<16xf32>
        %swap3A_74 = vector.shape_cast %mul3A_69 : vector<16xf32> to vector<1x16xf32>
        tpu.vector_store %arg12[%swap3A_70, %swap3A_71], %swap3A_74 {strides = array<i32>} : memref<64x128xf32, #tpu.memory_space<vmem>>, vector<1x16xf32>,
        %slice3A_75 = vector.extract_strided_slice %exp3A {offsets = [1], sizes = [1], strides = [1]} : vector<16xf32> to vector<1xf32>
        %squeeze3A_76 = vector.extract %slice3A_75[0] : f32 from vector<1xf32>
        %slice3A_77 = vector.extract_strided_slice %get3A_44 {offsets = [5], sizes = [1], strides = [1]} : vector<16xf32> to vector<1xf32>
        %squeeze3A_78 = vector.extract %slice3A_77[0] : f32 from vector<1xf32>
        %mul3A_79 = arith.mulf %squeeze3A_76, %squeeze3A_78 : f32
        %mul3A_80 = arith.constant 2.500000e-01 : f32
        %mul3A_81 = arith.mulf %mul3A_79, %mul3A_80 : f32
        %get3A_82 = arith.index_cast %scan3A_37 : i32 to index
        %get3A_83 = arith.constant 32 : index
        %get3A_84 = tpu.vector_load %arg10[%get3A_82, %get3A_83] {strides = array<i32>} : memref<64x256xf32, #tpu.memory_space<vmem>>, vector<1x16xf32>,
        %get3A_85 = vector.shape_cast %get3A_84 : vector<1x16xf32> to vector<16xf32>
        %mul3A_86 = vector.broadcast %mul3A_81 : f32 to vector<16xf32>
        %mul3A_87 = arith.mulf %get3A_85, %mul3A_86 : vector<16xf32>
        %swap3A_88 = arith.index_cast %scan3A_37 : i32 to index
        %swap3A_89 = arith.constant 32 : index
        %swap3A_90 = tpu.vector_load %arg12[%swap3A_88, %swap3A_89] {strides = array<i32>} : memref<64x128xf32, #tpu.memory_space<vmem>>, vector<1x16xf32>,
        %swap3A_91 = vector.shape_cast %swap3A_90 : vector<1x16xf32> to vector<16xf32>
        %swap3A_92 = vector.shape_cast %mul3A_87 : vector<16xf32> to vector<1x16xf32>
        tpu.vector_store %arg12[%swap3A_88, %swap3A_89], %swap3A_92 {strides = array<i32>} : memref<64x128xf32, #tpu.memory_space<vmem>>, vector<1x16xf32>,
        %get3A_93 = arith.index_cast %scan3A_37 : i32 to index
        %get3A_94 = arith.constant 48 : index
        %get3A_95 = tpu.vector_load %arg10[%get3A_93, %get3A_94] {strides = array<i32>} : memref<64x256xf32, #tpu.memory_space<vmem>>, vector<1x16xf32>,
        %get3A_96 = vector.shape_cast %get3A_95 : vector<1x16xf32> to vector<16xf32>
        %mul3A_97 = vector.broadcast %mul3A_81 : f32 to vector<16xf32>
        %mul3A_98 = arith.mulf %get3A_96, %mul3A_97 : vector<16xf32>
        %swap3A_99 = arith.index_cast %scan3A_37 : i32 to index
        %swap3A_100 = arith.constant 48 : index
        %swap3A_101 = tpu.vector_load %arg12[%swap3A_99, %swap3A_100] {strides = array<i32>} : memref<64x128xf32, #tpu.memory_space<vmem>>, vector<1x16xf32>,
        %swap3A_102 = vector.shape_cast %swap3A_101 : vector<1x16xf32> to vector<16xf32>
        %swap3A_103 = vector.shape_cast %mul3A_98 : vector<16xf32> to vector<1x16xf32>
        tpu.vector_store %arg12[%swap3A_99, %swap3A_100], %swap3A_103 {strides = array<i32>} : memref<64x128xf32, #tpu.memory_space<vmem>>, vector<1x16xf32>,
        %slice3A_104 = vector.extract_strided_slice %exp3A {offsets = [2], sizes = [1], strides = [1]} : vector<16xf32> to vector<1xf32>
        %squeeze3A_105 = vector.extract %slice3A_104[0] : f32 from vector<1xf32>
        %slice3A_106 = vector.extract_strided_slice %get3A_44 {offsets = [6], sizes = [1], strides = [1]} : vector<16xf32> to vector<1xf32>
        %squeeze3A_107 = vector.extract %slice3A_106[0] : f32 from vector<1xf32>
        %mul3A_108 = arith.mulf %squeeze3A_105, %squeeze3A_107 : f32
        %mul3A_109 = arith.constant 2.500000e-01 : f32
        %mul3A_110 = arith.mulf %mul3A_108, %mul3A_109 : f32
        %get3A_111 = arith.index_cast %scan3A_37 : i32 to index
        %get3A_112 = arith.constant 64 : index
        %get3A_113 = tpu.vector_load %arg10[%get3A_111, %get3A_112] {strides = array<i32>} : memref<64x256xf32, #tpu.memory_space<vmem>>, vector<1x16xf32>,
        %get3A_114 = vector.shape_cast %get3A_113 : vector<1x16xf32> to vector<16xf32>
        %mul3A_115 = vector.broadcast %mul3A_110 : f32 to vector<16xf32>
        %mul3A_116 = arith.mulf %get3A_114, %mul3A_115 : vector<16xf32>
        %swap3A_117 = arith.index_cast %scan3A_37 : i32 to index
        %swap3A_118 = arith.constant 64 : index
        %swap3A_119 = tpu.vector_load %arg12[%swap3A_117, %swap3A_118] {strides = array<i32>} : memref<64x128xf32, #tpu.memory_space<vmem>>, vector<1x16xf32>,
        %swap3A_120 = vector.shape_cast %swap3A_119 : vector<1x16xf32> to vector<16xf32>
        %swap3A_121 = vector.shape_cast %mul3A_116 : vector<16xf32> to vector<1x16xf32>
        tpu.vector_store %arg12[%swap3A_117, %swap3A_118], %swap3A_121 {strides = array<i32>} : memref<64x128xf32, #tpu.memory_space<vmem>>, vector<1x16xf32>,
        %get3A_122 = arith.index_cast %scan3A_37 : i32 to index
        %get3A_123 = arith.constant 80 : index
        %get3A_124 = tpu.vector_load %arg10[%get3A_122, %get3A_123] {strides = array<i32>} : memref<64x256xf32, #tpu.memory_space<vmem>>, vector<1x16xf32>,
        %get3A_125 = vector.shape_cast %get3A_124 : vector<1x16xf32> to vector<16xf32>
        %mul3A_126 = vector.broadcast %mul3A_110 : f32 to vector<16xf32>
        %mul3A_127 = arith.mulf %get3A_125, %mul3A_126 : vector<16xf32>
        %swap3A_128 = arith.index_cast %scan3A_37 : i32 to index
        %swap3A_129 = arith.constant 80 : index
        %swap3A_130 = tpu.vector_load %arg12[%swap3A_128, %swap3A_129] {strides = array<i32>} : memref<64x128xf32, #tpu.memory_space<vmem>>, vector<1x16xf32>,
        %swap3A_131 = vector.shape_cast %swap3A_130 : vector<1x16xf32> to vector<16xf32>
        %swap3A_132 = vector.shape_cast %mul3A_127 : vector<16xf32> to vector<1x16xf32>
        tpu.vector_store %arg12[%swap3A_128, %swap3A_129], %swap3A_132 {strides = array<i32>} : memref<64x128xf32, #tpu.memory_space<vmem>>, vector<1x16xf32>,
        %slice3A_133 = vector.extract_strided_slice %exp3A {offsets = [3], sizes = [1], strides = [1]} : vector<16xf32> to vector<1xf32>
        %squeeze3A_134 = vector.extract %slice3A_133[0] : f32 from vector<1xf32>
        %slice3A_135 = vector.extract_strided_slice %get3A_44 {offsets = [7], sizes = [1], strides = [1]} : vector<16xf32> to vector<1xf32>
        %squeeze3A_136 = vector.extract %slice3A_135[0] : f32 from vector<1xf32>
        %mul3A_137 = arith.mulf %squeeze3A_134, %squeeze3A_136 : f32
        %mul3A_138 = arith.constant 2.500000e-01 : f32
        %mul3A_139 = arith.mulf %mul3A_137, %mul3A_138 : f32
        %get3A_140 = arith.index_cast %scan3A_37 : i32 to index
        %get3A_141 = arith.constant 96 : index
        %get3A_142 = tpu.vector_load %arg10[%get3A_140, %get3A_141] {strides = array<i32>} : memref<64x256xf32, #tpu.memory_space<vmem>>, vector<1x16xf32>,
        %get3A_143 = vector.shape_cast %get3A_142 : vector<1x16xf32> to vector<16xf32>
        %mul3A_144 = vector.broadcast %mul3A_139 : f32 to vector<16xf32>
        %mul3A_145 = arith.mulf %get3A_143, %mul3A_144 : vector<16xf32>
        %swap3A_146 = arith.index_cast %scan3A_37 : i32 to index
        %swap3A_147 = arith.constant 96 : index
        %swap3A_148 = tpu.vector_load %arg12[%swap3A_146, %swap3A_147] {strides = array<i32>} : memref<64x128xf32, #tpu.memory_space<vmem>>, vector<1x16xf32>,
        %swap3A_149 = vector.shape_cast %swap3A_148 : vector<1x16xf32> to vector<16xf32>
        %swap3A_150 = vector.shape_cast %mul3A_145 : vector<16xf32> to vector<1x16xf32>
        tpu.vector_store %arg12[%swap3A_146, %swap3A_147], %swap3A_150 {strides = array<i32>} : memref<64x128xf32, #tpu.memory_space<vmem>>, vector<1x16xf32>,
        %get3A_151 = arith.index_cast %scan3A_37 : i32 to index
        %get3A_152 = arith.constant 112 : index
        %get3A_153 = tpu.vector_load %arg10[%get3A_151, %get3A_152] {strides = array<i32>} : memref<64x256xf32, #tpu.memory_space<vmem>>, vector<1x16xf32>,
        %get3A_154 = vector.shape_cast %get3A_153 : vector<1x16xf32> to vector<16xf32>
        %mul3A_155 = vector.broadcast %mul3A_139 : f32 to vector<16xf32>
        %mul3A_156 = arith.mulf %get3A_154, %mul3A_155 : vector<16xf32>
        %swap3A_157 = arith.index_cast %scan3A_37 : i32 to index
        %swap3A_158 = arith.constant 112 : index
        %swap3A_159 = tpu.vector_load %arg12[%swap3A_157, %swap3A_158] {strides = array<i32>} : memref<64x128xf32, #tpu.memory_space<vmem>>, vector<1x16xf32>,
        %swap3A_160 = vector.shape_cast %swap3A_159 : vector<1x16xf32> to vector<16xf32>
        %swap3A_161 = vector.shape_cast %mul3A_156 : vector<16xf32> to vector<1x16xf32>
        tpu.vector_store %arg12[%swap3A_157, %swap3A_158], %swap3A_161 {strides = array<i32>} : memref<64x128xf32, #tpu.memory_space<vmem>>, vector<1x16xf32>,
      }
      %scan3A_36 = arith.constant 64 : i32
      "tpu.region"() ({
        %run_scoped3A = tpu.sem_alloc : memref<!tpu.dma_semaphore, #tpu.memory_space<semaphore_mem>>
        %dma_start3A_37 = arith.constant 0 : i32
        %dma_start3A_38 = arith.constant 0 : i32
        %dma_start3A_39 = tpu.memref_slice %arg14[%dma_start3A_37, %dma_start3A_38] : memref<10112x128xf32, #tpu.memory_space<vmem_shared>> -> memref<10112x128xf32, #tpu.memory_space<vmem_shared>>
        tpu.enqueue_indirect_dma source(%arg12 : memref<64x128xf32, #tpu.memory_space<vmem>>) target(%dma_start3A_39 : memref<10112x128xf32, #tpu.memory_space<vmem_shared>>) offsets(%arg9 : memref<64xi32, #tpu.memory_space<vmem>>) semaphore(%run_scoped3A : memref<!tpu.dma_semaphore, #tpu.memory_space<semaphore_mem>>) {add = true}
        %dma_wait3A_40 = arith.constant 0 : i32
        %dma_wait3A_41 = arith.constant 0 : i32
        %dma_wait3A_42 = tpu.memref_slice %arg14[%dma_wait3A_40, %dma_wait3A_41] : memref<10112x128xf32, #tpu.memory_space<vmem_shared>> -> memref<10112x128xf32, #tpu.memory_space<vmem_shared>>
        tpu.wait_indirect_dma semaphore(%run_scoped3A : memref<!tpu.dma_semaphore, #tpu.memory_space<semaphore_mem>>) src(%arg12 : memref<64x128xf32, #tpu.memory_space<vmem>>) dst(%dma_wait3A_42 : memref<10112x128xf32, #tpu.memory_space<vmem_shared>>)
        tpu.yield
      }) : () -> ()
    }
    %scan3A_9 = arith.constant 158 : i32
    %barrier3A_10 = arith.constant 0 : index
    tpu.barrier barrier_id(%barrier3A_10)
    %scan3A_11 = arith.constant 0 : i32
    %scan3A_12 = arith.constant 79 : i32
    %scan3A_13 = arith.addi %scan3A_11, %scan3A_12 : i32
    %scan3A_14 = arith.constant 1 : i32
    scf.for %scan3A_16 = %scan3A_11 to %scan3A_13 step %scan3A_14  : i32 {
      %mul3A_17 = arith.constant 632 : i32
      %mul3A_18 = arith.muli %arg1, %mul3A_17 : i32
      %mul3A_19 = arith.constant 8 : i32
      %mul3A_20 = arith.muli %scan3A_16, %mul3A_19 : i32
      %add3A_21 = arith.addi %mul3A_18, %mul3A_20 : i32
      "tpu.region"() ({
        %run_scoped3A = tpu.sem_alloc : memref<!tpu.dma_semaphore, #tpu.memory_space<semaphore_mem>>
        %dma_start3A = arith.constant 0 : i32
        %dma_start3A_25 = tpu.memref_slice %arg14[%add3A_21, %dma_start3A] : memref<10112x128xf32, #tpu.memory_space<vmem_shared>> -> memref<8x128xf32, #tpu.memory_space<vmem_shared>>
        %dma_start3A_26 = arith.constant 0 : i32
        %dma_start3A_27 = tpu.memref_slice %arg14[%add3A_21, %dma_start3A_26] : memref<10112x128xf32, #tpu.memory_space<vmem_shared>> -> memref<8x128xf32, #tpu.memory_space<vmem_shared>>
        tpu.enqueue_dma source(%dma_start3A_27 : memref<8x128xf32, #tpu.memory_space<vmem_shared>>) target(%arg13 : memref<8x128xf32, #tpu.memory_space<vmem>>) target_semaphore(%run_scoped3A : memref<!tpu.dma_semaphore, #tpu.memory_space<semaphore_mem>>)
        %dma_wait3A = arith.constant 0 : i32
        %dma_wait3A_28 = tpu.memref_slice %arg14[%add3A_21, %dma_wait3A] : memref<10112x128xf32, #tpu.memory_space<vmem_shared>> -> memref<8x128xf32, #tpu.memory_space<vmem_shared>>
        %dma_wait3A_29 = arith.constant 0 : i32
        %dma_wait3A_30 = tpu.memref_slice %arg14[%add3A_21, %dma_wait3A_29] : memref<10112x128xf32, #tpu.memory_space<vmem_shared>> -> memref<8x128xf32, #tpu.memory_space<vmem_shared>>
        tpu.wait_dma2 semaphore(%run_scoped3A : memref<!tpu.dma_semaphore, #tpu.memory_space<semaphore_mem>>) src(%dma_wait3A_30 : memref<8x128xf32, #tpu.memory_space<vmem_shared>>) dst(%arg13 : memref<8x128xf32, #tpu.memory_space<vmem>>)
        tpu.yield
      }) : () -> ()
      %mul3A_22 = arith.constant 10112 : i32
      %mul3A_23 = arith.muli %arg0, %mul3A_22 : i32
      %add3A_24 = arith.addi %mul3A_23, %add3A_21 : i32
      "tpu.region"() ({
        %run_scoped3A = tpu.sem_alloc : memref<!tpu.dma_semaphore, #tpu.memory_space<semaphore_mem>>
        %dma_start3A = arith.constant 0 : i32
        %dma_start3A_25 = tpu.memref_slice %arg7[%add3A_24, %dma_start3A] : memref<20224x128xf32, #tpu.memory_space<hbm>> -> memref<8x128xf32, #tpu.memory_space<hbm>>
        %dma_start3A_26 = arith.constant 0 : i32
        %dma_start3A_27 = tpu.memref_slice %arg7[%add3A_24, %dma_start3A_26] : memref<20224x128xf32, #tpu.memory_space<hbm>> -> memref<8x128xf32, #tpu.memory_space<hbm>>
        tpu.enqueue_dma source(%arg13 : memref<8x128xf32, #tpu.memory_space<vmem>>) target(%dma_start3A_27 : memref<8x128xf32, #tpu.memory_space<hbm>>) target_semaphore(%run_scoped3A : memref<!tpu.dma_semaphore, #tpu.memory_space<semaphore_mem>>)
        %dma_wait3A = arith.constant 0 : i32
        %dma_wait3A_28 = tpu.memref_slice %arg7[%add3A_24, %dma_wait3A] : memref<20224x128xf32, #tpu.memory_space<hbm>> -> memref<8x128xf32, #tpu.memory_space<hbm>>
        %dma_wait3A_29 = arith.constant 0 : i32
        %dma_wait3A_30 = tpu.memref_slice %arg7[%add3A_24, %dma_wait3A_29] : memref<20224x128xf32, #tpu.memory_space<hbm>> -> memref<8x128xf32, #tpu.memory_space<hbm>>
        tpu.wait_dma2 semaphore(%run_scoped3A : memref<!tpu.dma_semaphore, #tpu.memory_space<semaphore_mem>>) src(%arg13 : memref<8x128xf32, #tpu.memory_space<vmem>>) dst(%dma_wait3A_30 : memref<8x128xf32, #tpu.memory_space<hbm>>)
        tpu.yield
      }) : () -> ()
    }
    %scan3A_15 = arith.constant 79 : i32
    return
  }
}

module attributes {stable_mosaic.version = 14 : i64} {
  func.func @_tc_sage_lin(%arg0: i32, %arg1: memref<128x128xf32, #tpu.memory_space<vmem>>, %arg2: memref<128x128xf32, #tpu.memory_space<vmem>>, %arg3: memref<128x128xf32, #tpu.memory_space<vmem>>, %arg4: memref<1x128xf32, #tpu.memory_space<vmem>>, %arg5: memref<128x128xf32, #tpu.memory_space<vmem>>, %arg6: memref<128x128xf32, #tpu.memory_space<vmem>>) attributes {dimension_semantics = [#tpu.dimension_semantics<arbitrary>], iteration_bounds = array<i64: 79>, scalar_prefetch = 0 : i64, scratch_operands = 0 : i64, tpu.core_type = #tpu.core_type<tc>, window_params = [{transform_indices = @transform_0, window_bounds = array<i64: 128, 128>}, {pipeline_mode = #tpu.pipeline_mode<synchronous>, transform_indices = @transform_1, window_bounds = array<i64: 128, 128>}, {pipeline_mode = #tpu.pipeline_mode<synchronous>, transform_indices = @transform_2, window_bounds = array<i64: 128, 128>}, {pipeline_mode = #tpu.pipeline_mode<synchronous>, transform_indices = @transform_3, window_bounds = array<i64: 1, 128>}, {transform_indices = @transform_4, window_bounds = array<i64: 128, 128>}, {transform_indices = @transform_5, window_bounds = array<i64: 128, 128>}]} {
    %get3A = arith.constant 0 : index
    %get3A_0 = arith.constant 0 : index
    %get3A_1 = vector.load %arg1[%get3A, %get3A_0] : memref<128x128xf32, #tpu.memory_space<vmem>>, vector<128x128xf32>
    %get3A_2 = arith.constant 0 : index
    %get3A_3 = arith.constant 0 : index
    %get3A_4 = vector.load %arg2[%get3A_2, %get3A_3] : memref<128x128xf32, #tpu.memory_space<vmem>>, vector<128x128xf32>
    %dot_general3A = arith.constant dense<0.000000e+00> : vector<128x128xf32>
    %dot_general3A_5 = tpu.matmul %get3A_1, %get3A_4, %dot_general3A {dimension_numbers = #tpu.dot_dimension_numbers<[1], [0], [0], [1], [0, 0, 1, 1], [], []>, transpose_lhs_hint = false} : vector<128x128xf32>, vector<128x128xf32>, vector<128x128xf32> -> vector<128x128xf32>
    %swap3A = arith.constant 0 : index
    %swap3A_6 = arith.constant 0 : index
    %swap3A_7 = vector.load %arg5[%swap3A, %swap3A_6] : memref<128x128xf32, #tpu.memory_space<vmem>>, vector<128x128xf32>
    tpu.vector_store %arg5[%swap3A, %swap3A_6], %dot_general3A_5 {strides = array<i32>} : memref<128x128xf32, #tpu.memory_space<vmem>>, vector<128x128xf32>,
    %get3A_8 = arith.constant 0 : index
    %get3A_9 = arith.constant 0 : index
    %get3A_10 = vector.load %arg3[%get3A_8, %get3A_9] : memref<128x128xf32, #tpu.memory_space<vmem>>, vector<128x128xf32>
    %dot_general3A_11 = arith.constant dense<0.000000e+00> : vector<128x128xf32>
    %dot_general3A_12 = tpu.matmul %get3A_1, %get3A_10, %dot_general3A_11 {dimension_numbers = #tpu.dot_dimension_numbers<[1], [0], [0], [1], [0, 0, 1, 1], [], []>, transpose_lhs_hint = false} : vector<128x128xf32>, vector<128x128xf32>, vector<128x128xf32> -> vector<128x128xf32>
    %get3A_13 = arith.constant 0 : index
    %get3A_14 = arith.constant 0 : index
    %get3A_15 = vector.load %arg4[%get3A_13, %get3A_14] : memref<1x128xf32, #tpu.memory_space<vmem>>, vector<1x128xf32>
    %add3A = vector.broadcast %get3A_15 : vector<1x128xf32> to vector<128x128xf32>
    %add3A_16 = arith.addf %dot_general3A_12, %add3A : vector<128x128xf32>
    %swap3A_17 = arith.constant 0 : index
    %swap3A_18 = arith.constant 0 : index
    %swap3A_19 = vector.load %arg6[%swap3A_17, %swap3A_18] : memref<128x128xf32, #tpu.memory_space<vmem>>, vector<128x128xf32>
    tpu.vector_store %arg6[%swap3A_17, %swap3A_18], %add3A_16 {strides = array<i32>} : memref<128x128xf32, #tpu.memory_space<vmem>>, vector<128x128xf32>,
    return
  }
  func.func @transform_0(%arg0: i32) -> (i32, i32) {
    %c0_i32 = arith.constant 0 : i32
    %c0_i32_0 = arith.constant 0 : i32
    return %arg0, %c0_i32 : i32, i32
  }
  func.func @transform_1(%arg0: i32) -> (i32, i32) {
    %c0_i32 = arith.constant 0 : i32
    %c0_i32_0 = arith.constant 0 : i32
    %c0_i32_1 = arith.constant 0 : i32
    return %c0_i32, %c0_i32_0 : i32, i32
  }
  func.func @transform_2(%arg0: i32) -> (i32, i32) {
    %c0_i32 = arith.constant 0 : i32
    %c0_i32_0 = arith.constant 0 : i32
    %c0_i32_1 = arith.constant 0 : i32
    return %c0_i32, %c0_i32_0 : i32, i32
  }
  func.func @transform_3(%arg0: i32) -> (i32, i32) {
    %c0_i32 = arith.constant 0 : i32
    %c0_i32_0 = arith.constant 0 : i32
    %c0_i32_1 = arith.constant 0 : i32
    return %c0_i32, %c0_i32_0 : i32, i32
  }
  func.func @transform_4(%arg0: i32) -> (i32, i32) {
    %c0_i32 = arith.constant 0 : i32
    %c0_i32_0 = arith.constant 0 : i32
    return %arg0, %c0_i32 : i32, i32
  }
  func.func @transform_5(%arg0: i32) -> (i32, i32) {
    %c0_i32 = arith.constant 0 : i32
    %c0_i32_0 = arith.constant 0 : i32
    return %arg0, %c0_i32 : i32, i32
  }
}

module attributes {stable_mosaic.version = 14 : i64} {
  func.func @_tc_gat_lin(%arg0: i32, %arg1: memref<2x128x128xf32, #tpu.memory_space<vmem>>, %arg2: memref<2x128x128xf32, #tpu.memory_space<vmem>>, %arg3: memref<128x128xf32, #tpu.memory_space<vmem>>, %arg4: memref<128x128xf32, #tpu.memory_space<vmem>>, %arg5: memref<1x128xf32, #tpu.memory_space<vmem>>, %arg6: memref<1x128xf32, #tpu.memory_space<vmem>>, %arg7: memref<128x4xf32, #tpu.memory_space<vmem>>, %arg8: memref<128x128xf32, #tpu.memory_space<vmem>>, %arg9: memref<128x128xf32, #tpu.memory_space<vmem>>) attributes {dimension_semantics = [#tpu.dimension_semantics<arbitrary>], iteration_bounds = array<i64: 79>, scalar_prefetch = 0 : i64, scratch_operands = 0 : i64, tpu.core_type = #tpu.core_type<tc>, window_params = [{transform_indices = @transform_0, window_bounds = array<i64: 2, 128, 128>}, {transform_indices = @transform_1, window_bounds = array<i64: 2, 128, 128>}, {transform_indices = @transform_2, window_bounds = array<i64: 128, 128>}, {pipeline_mode = #tpu.pipeline_mode<synchronous>, transform_indices = @transform_3, window_bounds = array<i64: 128, 128>}, {pipeline_mode = #tpu.pipeline_mode<synchronous>, transform_indices = @transform_4, window_bounds = array<i64: 1, 128>}, {pipeline_mode = #tpu.pipeline_mode<synchronous>, transform_indices = @transform_5, window_bounds = array<i64: 1, 128>}, {pipeline_mode = #tpu.pipeline_mode<synchronous>, transform_indices = @transform_6, window_bounds = array<i64: 128, 4>}, {transform_indices = @transform_7, window_bounds = array<i64: 128, 128>}, {transform_indices = @transform_8, window_bounds = array<i64: 128, 128>}]} {
    %get3A = arith.constant 0 : index
    %get3A_0 = arith.constant 0 : index
    %get3A_1 = arith.constant 0 : index
    %get3A_2 = vector.load %arg1[%get3A, %get3A_0, %get3A_1] : memref<2x128x128xf32, #tpu.memory_space<vmem>>, vector<1x128x128xf32>
    %get3A_3 = vector.shape_cast %get3A_2 : vector<1x128x128xf32> to vector<128x128xf32>
    %get3A_4 = arith.constant 1 : index
    %get3A_5 = arith.constant 0 : index
    %get3A_6 = arith.constant 0 : index
    %get3A_7 = vector.load %arg1[%get3A_4, %get3A_5, %get3A_6] : memref<2x128x128xf32, #tpu.memory_space<vmem>>, vector<1x128x128xf32>
    %get3A_8 = vector.shape_cast %get3A_7 : vector<1x128x128xf32> to vector<128x128xf32>
    %add3A = arith.addf %get3A_3, %get3A_8 : vector<128x128xf32>
    %get3A_9 = arith.constant 0 : index
    %get3A_10 = arith.constant 0 : index
    %get3A_11 = arith.constant 0 : index
    %get3A_12 = vector.load %arg2[%get3A_9, %get3A_10, %get3A_11] : memref<2x128x128xf32, #tpu.memory_space<vmem>>, vector<1x128x128xf32>
    %get3A_13 = vector.shape_cast %get3A_12 : vector<1x128x128xf32> to vector<128x128xf32>
    %slice3A = vector.extract_strided_slice %get3A_13 {offsets = [0, 0], sizes = [128, 1], strides = [1, 1]} : vector<128x128xf32> to vector<128x1xf32>
    %get3A_14 = arith.constant 1 : index
    %get3A_15 = arith.constant 0 : index
    %get3A_16 = arith.constant 0 : index
    %get3A_17 = vector.load %arg2[%get3A_14, %get3A_15, %get3A_16] : memref<2x128x128xf32, #tpu.memory_space<vmem>>, vector<1x128x128xf32>
    %get3A_18 = vector.shape_cast %get3A_17 : vector<1x128x128xf32> to vector<128x128xf32>
    %slice3A_19 = vector.extract_strided_slice %get3A_18 {offsets = [0, 0], sizes = [128, 1], strides = [1, 1]} : vector<128x128xf32> to vector<128x1xf32>
    %add3A_20 = arith.addf %slice3A, %slice3A_19 : vector<128x1xf32>
    %max3A = arith.constant 1.000000e+00 : f32
    %max3A_21 = vector.broadcast %max3A : f32 to vector<128x1xf32>
    %max3A_22 = arith.maximumf %add3A_20, %max3A_21 : vector<128x1xf32>
    %div3A = vector.broadcast %max3A_22 : vector<128x1xf32> to vector<128x128xf32>
    %div3A_23 = arith.divf %add3A, %div3A : vector<128x128xf32>
    %get3A_24 = arith.constant 0 : index
    %get3A_25 = arith.constant 0 : index
    %get3A_26 = vector.load %arg3[%get3A_24, %get3A_25] : memref<128x128xf32, #tpu.memory_space<vmem>>, vector<128x128xf32>
    %add3A_27 = arith.addf %div3A_23, %get3A_26 : vector<128x128xf32>
    %max3A_28 = arith.constant 0.000000e+00 : f32
    %max3A_29 = vector.broadcast %max3A_28 : f32 to vector<128x128xf32>
    %max3A_30 = arith.maximumf %add3A_27, %max3A_29 : vector<128x128xf32>
    %get3A_31 = arith.constant 0 : index
    %get3A_32 = arith.constant 0 : index
    %get3A_33 = vector.load %arg4[%get3A_31, %get3A_32] : memref<128x128xf32, #tpu.memory_space<vmem>>, vector<128x128xf32>
    %dot_general3A = arith.constant dense<0.000000e+00> : vector<128x128xf32>
    %dot_general3A_34 = tpu.matmul %max3A_30, %get3A_33, %dot_general3A {dimension_numbers = #tpu.dot_dimension_numbers<[1], [0], [0], [1], [0, 0, 1, 1], [], []>, transpose_lhs_hint = false} : vector<128x128xf32>, vector<128x128xf32>, vector<128x128xf32> -> vector<128x128xf32>
    %swap3A = arith.constant 0 : index
    %swap3A_35 = arith.constant 0 : index
    %swap3A_36 = vector.load %arg8[%swap3A, %swap3A_35] : memref<128x128xf32, #tpu.memory_space<vmem>>, vector<128x128xf32>
    tpu.vector_store %arg8[%swap3A, %swap3A_35], %dot_general3A_34 {strides = array<i32>} : memref<128x128xf32, #tpu.memory_space<vmem>>, vector<128x128xf32>,
    %get3A_37 = arith.constant 0 : index
    %get3A_38 = arith.constant 0 : index
    %get3A_39 = vector.load %arg7[%get3A_37, %get3A_38] : memref<128x4xf32, #tpu.memory_space<vmem>>, vector<128x4xf32>
    %get3A_40 = arith.constant 0 : index
    %get3A_41 = arith.constant 0 : index
    %get3A_42 = vector.load %arg5[%get3A_40, %get3A_41] : memref<1x128xf32, #tpu.memory_space<vmem>>, vector<1x128xf32>
    %mul3A = vector.broadcast %get3A_42 : vector<1x128xf32> to vector<128x128xf32>
    %mul3A_43 = arith.mulf %dot_general3A_34, %mul3A : vector<128x128xf32>
    %dot_general3A_44 = arith.constant dense<0.000000e+00> : vector<128x4xf32>
    %dot_general3A_45 = tpu.matmul %mul3A_43, %get3A_39, %dot_general3A_44 {dimension_numbers = #tpu.dot_dimension_numbers<[1], [0], [0], [1], [0, 0, 1, 1], [], []>, transpose_lhs_hint = false} : vector<128x128xf32>, vector<128x4xf32>, vector<128x4xf32> -> vector<128x4xf32>
    %get3A_46 = arith.constant 0 : index
    %get3A_47 = arith.constant 0 : index
    %get3A_48 = vector.load %arg6[%get3A_46, %get3A_47] : memref<1x128xf32, #tpu.memory_space<vmem>>, vector<1x128xf32>
    %mul3A_49 = vector.broadcast %get3A_48 : vector<1x128xf32> to vector<128x128xf32>
    %mul3A_50 = arith.mulf %dot_general3A_34, %mul3A_49 : vector<128x128xf32>
    %dot_general3A_51 = arith.constant dense<0.000000e+00> : vector<128x4xf32>
    %dot_general3A_52 = tpu.matmul %mul3A_50, %get3A_39, %dot_general3A_51 {dimension_numbers = #tpu.dot_dimension_numbers<[1], [0], [0], [1], [0, 0, 1, 1], [], []>, transpose_lhs_hint = false} : vector<128x128xf32>, vector<128x4xf32>, vector<128x4xf32> -> vector<128x4xf32>
    %broadcast_in_dim3A = arith.constant 0.000000e+00 : f32
    %broadcast_in_dim3A_53 = vector.broadcast %broadcast_in_dim3A : f32 to vector<128x120xf32>
    %concatenate3A = tpu.concatenate %dot_general3A_45, %dot_general3A_52, %broadcast_in_dim3A_53 in 1 : vector<128x4xf32>, vector<128x4xf32>, vector<128x120xf32> -> vector<128x128xf32>
    %swap3A_54 = arith.constant 0 : index
    %swap3A_55 = arith.constant 0 : index
    %swap3A_56 = vector.load %arg9[%swap3A_54, %swap3A_55] : memref<128x128xf32, #tpu.memory_space<vmem>>, vector<128x128xf32>
    tpu.vector_store %arg9[%swap3A_54, %swap3A_55], %concatenate3A {strides = array<i32>} : memref<128x128xf32, #tpu.memory_space<vmem>>, vector<128x128xf32>,
    return
  }
  func.func @transform_0(%arg0: i32) -> (i32, i32, i32) {
    %c0_i32 = arith.constant 0 : i32
    %c0_i32_0 = arith.constant 0 : i32
    %c0_i32_1 = arith.constant 0 : i32
    return %c0_i32, %arg0, %c0_i32_0 : i32, i32, i32
  }
  func.func @transform_1(%arg0: i32) -> (i32, i32, i32) {
    %c0_i32 = arith.constant 0 : i32
    %c0_i32_0 = arith.constant 0 : i32
    %c0_i32_1 = arith.constant 0 : i32
    return %c0_i32, %arg0, %c0_i32_0 : i32, i32, i32
  }
  func.func @transform_2(%arg0: i32) -> (i32, i32) {
    %c0_i32 = arith.constant 0 : i32
    %c0_i32_0 = arith.constant 0 : i32
    return %arg0, %c0_i32 : i32, i32
  }
  func.func @transform_3(%arg0: i32) -> (i32, i32) {
    %c0_i32 = arith.constant 0 : i32
    %c0_i32_0 = arith.constant 0 : i32
    %c0_i32_1 = arith.constant 0 : i32
    return %c0_i32, %c0_i32_0 : i32, i32
  }
  func.func @transform_4(%arg0: i32) -> (i32, i32) {
    %c0_i32 = arith.constant 0 : i32
    %c0_i32_0 = arith.constant 0 : i32
    %c0_i32_1 = arith.constant 0 : i32
    return %c0_i32, %c0_i32_0 : i32, i32
  }
  func.func @transform_5(%arg0: i32) -> (i32, i32) {
    %c0_i32 = arith.constant 0 : i32
    %c0_i32_0 = arith.constant 0 : i32
    %c0_i32_1 = arith.constant 0 : i32
    return %c0_i32, %c0_i32_0 : i32, i32
  }
  func.func @transform_6(%arg0: i32) -> (i32, i32) {
    %c0_i32 = arith.constant 0 : i32
    %c0_i32_0 = arith.constant 0 : i32
    %c0_i32_1 = arith.constant 0 : i32
    return %c0_i32, %c0_i32_0 : i32, i32
  }
  func.func @transform_7(%arg0: i32) -> (i32, i32) {
    %c0_i32 = arith.constant 0 : i32
    %c0_i32_0 = arith.constant 0 : i32
    return %arg0, %c0_i32 : i32, i32
  }
  func.func @transform_8(%arg0: i32) -> (i32, i32) {
    %c0_i32 = arith.constant 0 : i32
    %c0_i32_0 = arith.constant 0 : i32
    return %arg0, %c0_i32 : i32, i32
  }
}

module attributes {stable_mosaic.version = 14 : i64} {
  func.func @_tc_recip(%arg0: i32, %arg1: memref<2x128x128xf32, #tpu.memory_space<vmem>>, %arg2: memref<128x128xf32, #tpu.memory_space<vmem>>, %arg3: memref<128x128xf32, #tpu.memory_space<vmem>>) attributes {dimension_semantics = [#tpu.dimension_semantics<arbitrary>], iteration_bounds = array<i64: 79>, scalar_prefetch = 0 : i64, scratch_operands = 0 : i64, tpu.core_type = #tpu.core_type<tc>, window_params = [{transform_indices = @transform_0, window_bounds = array<i64: 2, 128, 128>}, {transform_indices = @transform_1, window_bounds = array<i64: 128, 128>}, {transform_indices = @transform_2, window_bounds = array<i64: 128, 128>}]} {
    %get3A = arith.constant 0 : index
    %get3A_0 = arith.constant 0 : index
    %get3A_1 = arith.constant 0 : index
    %get3A_2 = vector.load %arg1[%get3A, %get3A_0, %get3A_1] : memref<2x128x128xf32, #tpu.memory_space<vmem>>, vector<1x128x128xf32>
    %get3A_3 = vector.shape_cast %get3A_2 : vector<1x128x128xf32> to vector<128x128xf32>
    %slice3A = vector.extract_strided_slice %get3A_3 {offsets = [0, 0], sizes = [128, 4], strides = [1, 1]} : vector<128x128xf32> to vector<128x4xf32>
    %get3A_4 = arith.constant 1 : index
    %get3A_5 = arith.constant 0 : index
    %get3A_6 = arith.constant 0 : index
    %get3A_7 = vector.load %arg1[%get3A_4, %get3A_5, %get3A_6] : memref<2x128x128xf32, #tpu.memory_space<vmem>>, vector<1x128x128xf32>
    %get3A_8 = vector.shape_cast %get3A_7 : vector<1x128x128xf32> to vector<128x128xf32>
    %slice3A_9 = vector.extract_strided_slice %get3A_8 {offsets = [0, 0], sizes = [128, 4], strides = [1, 1]} : vector<128x128xf32> to vector<128x4xf32>
    %add3A = arith.addf %slice3A, %slice3A_9 : vector<128x4xf32>
    %add3A_10 = arith.constant 1.000000e-16 : f32
    %add3A_11 = vector.broadcast %add3A_10 : f32 to vector<128x4xf32>
    %add3A_12 = arith.addf %add3A, %add3A_11 : vector<128x4xf32>
    %div3A = arith.constant 1.000000e+00 : f32
    %div3A_13 = vector.broadcast %div3A : f32 to vector<128x4xf32>
    %div3A_14 = arith.divf %div3A_13, %add3A_12 : vector<128x4xf32>
    %get3A_15 = arith.constant 0 : index
    %get3A_16 = arith.constant 4 : index
    %get3A_17 = vector.load %arg2[%get3A_15, %get3A_16] : memref<128x128xf32, #tpu.memory_space<vmem>>, vector<128x4xf32>
    %broadcast_in_dim3A = arith.constant 0.000000e+00 : f32
    %broadcast_in_dim3A_18 = vector.broadcast %broadcast_in_dim3A : f32 to vector<128x120xf32>
    %concatenate3A = tpu.concatenate %get3A_17, %div3A_14, %broadcast_in_dim3A_18 in 1 : vector<128x4xf32>, vector<128x4xf32>, vector<128x120xf32> -> vector<128x128xf32>
    %swap3A = arith.constant 0 : index
    %swap3A_19 = arith.constant 0 : index
    %swap3A_20 = vector.load %arg3[%swap3A, %swap3A_19] : memref<128x128xf32, #tpu.memory_space<vmem>>, vector<128x128xf32>
    tpu.vector_store %arg3[%swap3A, %swap3A_19], %concatenate3A {strides = array<i32>} : memref<128x128xf32, #tpu.memory_space<vmem>>, vector<128x128xf32>,
    return
  }
  func.func @transform_0(%arg0: i32) -> (i32, i32, i32) {
    %c0_i32 = arith.constant 0 : i32
    %c0_i32_0 = arith.constant 0 : i32
    %c0_i32_1 = arith.constant 0 : i32
    return %c0_i32, %arg0, %c0_i32_0 : i32, i32, i32
  }
  func.func @transform_1(%arg0: i32) -> (i32, i32) {
    %c0_i32 = arith.constant 0 : i32
    %c0_i32_0 = arith.constant 0 : i32
    return %arg0, %c0_i32 : i32, i32
  }
  func.func @transform_2(%arg0: i32) -> (i32, i32) {
    %c0_i32 = arith.constant 0 : i32
    %c0_i32_0 = arith.constant 0 : i32
    return %arg0, %c0_i32 : i32, i32
  }
}

module attributes {stable_mosaic.version = 14 : i64} {
  func.func @_tc_final(%arg0: i32, %arg1: memref<2x128x128xf32, #tpu.memory_space<vmem>>, %arg2: memref<1x32xf32, #tpu.memory_space<vmem>>, %arg3: memref<32x1xf32, #tpu.memory_space<vmem>>, %arg4: memref<1x1xf32, #tpu.memory_space<vmem>>, %arg5: memref<128x1xf32, #tpu.memory_space<vmem>>) attributes {dimension_semantics = [#tpu.dimension_semantics<arbitrary>], iteration_bounds = array<i64: 79>, scalar_prefetch = 0 : i64, scratch_operands = 0 : i64, tpu.core_type = #tpu.core_type<tc>, window_params = [{transform_indices = @transform_0, window_bounds = array<i64: 2, 128, 128>}, {pipeline_mode = #tpu.pipeline_mode<synchronous>, transform_indices = @transform_1, window_bounds = array<i64: 1, 32>}, {pipeline_mode = #tpu.pipeline_mode<synchronous>, transform_indices = @transform_2, window_bounds = array<i64: 32, 1>}, {pipeline_mode = #tpu.pipeline_mode<synchronous>, transform_indices = @transform_3, window_bounds = array<i64: 1, 1>}, {transform_indices = @transform_4, window_bounds = array<i64: 128, 1>}]} {
    %get3A = arith.constant 0 : index
    %get3A_0 = arith.constant 0 : index
    %get3A_1 = arith.constant 0 : index
    %get3A_2 = vector.load %arg1[%get3A, %get3A_0, %get3A_1] : memref<2x128x128xf32, #tpu.memory_space<vmem>>, vector<1x128x128xf32>
    %get3A_3 = vector.shape_cast %get3A_2 : vector<1x128x128xf32> to vector<128x128xf32>
    %get3A_4 = arith.constant 1 : index
    %get3A_5 = arith.constant 0 : index
    %get3A_6 = arith.constant 0 : index
    %get3A_7 = vector.load %arg1[%get3A_4, %get3A_5, %get3A_6] : memref<2x128x128xf32, #tpu.memory_space<vmem>>, vector<1x128x128xf32>
    %get3A_8 = vector.shape_cast %get3A_7 : vector<1x128x128xf32> to vector<128x128xf32>
    %add3A = arith.addf %get3A_3, %get3A_8 : vector<128x128xf32>
    %broadcast_in_dim3A = arith.constant 0.000000e+00 : f32
    %broadcast_in_dim3A_9 = vector.broadcast %broadcast_in_dim3A : f32 to vector<128x32xf32>
    %slice3A = vector.extract_strided_slice %add3A {offsets = [0, 0], sizes = [128, 32], strides = [1, 1]} : vector<128x128xf32> to vector<128x32xf32>
    %add3A_10 = arith.addf %broadcast_in_dim3A_9, %slice3A : vector<128x32xf32>
    %slice3A_11 = vector.extract_strided_slice %add3A {offsets = [0, 32], sizes = [128, 32], strides = [1, 1]} : vector<128x128xf32> to vector<128x32xf32>
    %add3A_12 = arith.addf %add3A_10, %slice3A_11 : vector<128x32xf32>
    %slice3A_13 = vector.extract_strided_slice %add3A {offsets = [0, 64], sizes = [128, 32], strides = [1, 1]} : vector<128x128xf32> to vector<128x32xf32>
    %add3A_14 = arith.addf %add3A_12, %slice3A_13 : vector<128x32xf32>
    %slice3A_15 = vector.extract_strided_slice %add3A {offsets = [0, 96], sizes = [128, 32], strides = [1, 1]} : vector<128x128xf32> to vector<128x32xf32>
    %add3A_16 = arith.addf %add3A_14, %slice3A_15 : vector<128x32xf32>
    %get3A_17 = arith.constant 0 : index
    %get3A_18 = arith.constant 0 : index
    %get3A_19 = vector.load %arg2[%get3A_17, %get3A_18] : memref<1x32xf32, #tpu.memory_space<vmem>>, vector<1x32xf32>
    %add3A_20 = vector.broadcast %get3A_19 : vector<1x32xf32> to vector<128x32xf32>
    %add3A_21 = arith.addf %add3A_16, %add3A_20 : vector<128x32xf32>
    %max3A = arith.constant 0.000000e+00 : f32
    %max3A_22 = vector.broadcast %max3A : f32 to vector<128x32xf32>
    %max3A_23 = arith.maximumf %add3A_21, %max3A_22 : vector<128x32xf32>
    %get3A_24 = arith.constant 0 : index
    %get3A_25 = arith.constant 0 : index
    %get3A_26 = vector.load %arg3[%get3A_24, %get3A_25] : memref<32x1xf32, #tpu.memory_space<vmem>>, vector<32x1xf32>
    %dot_general3A = arith.constant dense<0.000000e+00> : vector<128x1xf32>
    %dot_general3A_27 = tpu.matmul %max3A_23, %get3A_26, %dot_general3A {dimension_numbers = #tpu.dot_dimension_numbers<[1], [0], [0], [1], [0, 0, 1, 1], [], []>, transpose_lhs_hint = false} : vector<128x32xf32>, vector<32x1xf32>, vector<128x1xf32> -> vector<128x1xf32>
    %get3A_28 = arith.constant 0 : index
    %get3A_29 = arith.constant 0 : index
    %get3A_30 = vector.load %arg4[%get3A_28, %get3A_29] : memref<1x1xf32, #tpu.memory_space<vmem>>, vector<1x1xf32>
    %add3A_31 = vector.broadcast %get3A_30 : vector<1x1xf32> to vector<128x1xf32>
    %add3A_32 = arith.addf %dot_general3A_27, %add3A_31 : vector<128x1xf32>
    %swap3A = arith.constant 0 : index
    %swap3A_33 = arith.constant 0 : index
    %swap3A_34 = vector.load %arg5[%swap3A, %swap3A_33] : memref<128x1xf32, #tpu.memory_space<vmem>>, vector<128x1xf32>
    tpu.vector_store %arg5[%swap3A, %swap3A_33], %add3A_32 {strides = array<i32>} : memref<128x1xf32, #tpu.memory_space<vmem>>, vector<128x1xf32>,
    return
  }
  func.func @transform_0(%arg0: i32) -> (i32, i32, i32) {
    %c0_i32 = arith.constant 0 : i32
    %c0_i32_0 = arith.constant 0 : i32
    %c0_i32_1 = arith.constant 0 : i32
    return %c0_i32, %arg0, %c0_i32_0 : i32, i32, i32
  }
  func.func @transform_1(%arg0: i32) -> (i32, i32) {
    %c0_i32 = arith.constant 0 : i32
    %c0_i32_0 = arith.constant 0 : i32
    %c0_i32_1 = arith.constant 0 : i32
    return %c0_i32, %c0_i32_0 : i32, i32
  }
  func.func @transform_2(%arg0: i32) -> (i32, i32) {
    %c0_i32 = arith.constant 0 : i32
    %c0_i32_0 = arith.constant 0 : i32
    %c0_i32_1 = arith.constant 0 : i32
    return %c0_i32, %c0_i32_0 : i32, i32
  }
  func.func @transform_3(%arg0: i32) -> (i32, i32) {
    %c0_i32 = arith.constant 0 : i32
    %c0_i32_0 = arith.constant 0 : i32
    %c0_i32_1 = arith.constant 0 : i32
    return %c0_i32, %c0_i32_0 : i32, i32
  }
  func.func @transform_4(%arg0: i32) -> (i32, i32) {
    %c0_i32 = arith.constant 0 : i32
    %c0_i32_0 = arith.constant 0 : i32
    return %arg0, %c0_i32 : i32, i32
  }
}

</mosaic_0001>

<sc_bundles>
// kernel: kernel.10.cloned.1.call-start
scs
__scs_entry_jumppad:
0x0: {  	(pc) =	sbr.rel $0x88, $3  }
0x1: {  	(tag) =	ssettag $0x0;
	lr =	simm.s32 $0x1  }
0x2: {  	[smem:$0x3F96] =	sst lr;
	_ =	strace $0xD0000000  }
0x3: {  	_ = 	snop  }
0x4: {  	_ = 	snop  }
0x5: {  	_ = 	snop  }
0x6: {  	_ = 	snop  }
0x7: {  	_ = 	snop  }
__scs_overlays_trampoline_lowered:
0x8: {  	[smem:$0x3FA5] =	sst s0  }
0x9: {  	[smem:$0x3FA6] =	sst s1  }
0xa: {  	[smem:$0x3FA7] =	sst s2  }
0xb: {  	[smem:$0x3FA8] =	sst s3  }
0xc: {  	[smem:$0x3FA9] =	sst s4  }
0xd: {  	[smem:$0x3FAA] =	sst s5  }
0xe: {  	[smem:$0x3FAB] =	sst s6  }
0xf: {  	[smem:$0x3FAC] =	sst s7  }
0x10: {  	[smem:$0x3FAD] =	sst s8  }
0x11: {  	[smem:$0x3FAE] =	sst s9;
	s0 =	simm.s32 @!p0 $0x0  }
0x12: {  	s1 =	sld [smem:$0x3F94];
	s0 =	simm.s32 @p0 $0x1  }
0x13: {  	[smem:$0x3FAF] =	sst s0;
	s0 =	simm.s32 @!p1 $0x0  }
0x14: {  	s2 =	sld [smem:$0x3F93];
	s0 =	simm.s32 @p1 $0x1  }
0x15: {  	[smem:$0x3FB0] =	sst s0;
	s0 =	simm.s32 @!p2 $0x0  }
0x16: {  	s3 =	sld [smem:$0x3FDB];
	s0 =	simm.s32 @p2 $0x1  }
0x17: {  	s4 =	simm.s32 $0x1BF5;
	[smem:$0x3FB2] =	sst s0  }
0x18: {  	s0 =	sld [smem:$0x3F95];
	_ =	swait.ge [sflag:s4], $0x0  }
0x19: {  	s7 =	sld [smem:$0x3F96]  }
0x1a: {  	s8 =	sadd.s32 $0xFFFFE003, lr  }
0x1b: {  	s9 =	sadd.s32 $0xFFFFFEF7, lr;
	s5 =	simm.s32 $0xFFFFFFFF;
	p2 =	slt.u32 s8, $0xFFFFF086  }
0x1c: {  	p1 =	slt.u32 s9, $0xF7A;
	s5 =	simm.s32 @!p2 $0x0  }
0x1d: {  	s5 =	simm.s32 @p1 $0x1;
	p0 =	seq.s32 s7, s2  }
0x1e: {  	s7 =	smul.u32 @!p0 $0xF7A, s2;
	p2 =	seq.s32 @!p0 s5, $0x0  }
0x1f: {  	s9 =	smul.u32 $0xF7A, s1;
	s8 =	simm.s32 @!p0 $0x1BF5;
	p2 =	por !p2, p0  }
0x20: {  	[sflag:s8] =	ssyncset.s32 @!p0 $0xFFFFF086;
	s6 =	sadd.s32 @!p0 s3, s7;
	s7 =	simm.s32 @!p0 $0x108  }
0x21: {  	s3 =	sadd.s32 s3, s9;
	s6 =	sadd.s32 @!p0 $0x88, s6;
	s7 =	simm.s32 @p2 $0x1082  }
0x22: {  	[simem:s7], [sflag:s8] =	dma.local @!p0 [hbm:s6], $0xF7A  }
0x23: {  	s9 =	sor.u32 $0xD0000000, s2;
	s6 =	simm.s32 $0x108;
	_ =	swait.ge @!p0 [sflag:s8], $0x0  }
0x24: {  	s3 =	sadd.s32 $0x88, s3;
	s6 =	simm.s32 @!p1 $0x1082;
	[sflag:s4] =	ssyncset.s32 $0xFFFFF086  }
0x25: {  	[simem:s6], [sflag:s4] =	dma.local [hbm:s3], $0xF7A  }
0x26: {  	[smem:$0x3F96] =	sst s1;
	(tag) =	ssettag s2;
	_ =	strace s9  }
0x27: {  	s1 =	sld [smem:$0x3FA6]  }
0x28: {  	s2 =	sld [smem:$0x3FA7]  }
0x29: {  	s4 =	sld [smem:$0x3FA9]  }
0x2a: {  	p0 =	seq.s32 s5, $0x0;
	s5 =	sld [smem:$0x3FAA]  }
0x2b: {  	s6 =	sld [smem:$0x3FAB]  }
0x2c: {  	s7 =	sld [smem:$0x3FAC]  }
0x2d: {  	s3 =	simm.s32 $0x108;
	s8 =	sld [smem:$0x3FAD]  }
0x2e: {  	s3 =	simm.s32 @!p0 $0x1082;
	s9 =	sld [smem:$0x3FAE]  }
0x2f: {  	lr =	sadd.s32 s0, s3;
	s0 =	sld [smem:$0x3FA5]  }
0x30: {  	s3 =	sld [smem:$0x3FA8]  }
0x31: {  	[smem:$0x3FB1] =	sst s10  }
0x32: {  	s10 =	sld [smem:$0x3FAF];
	_ =	sdelay $0x3  }
0x33: {  	p0 =	seq.s32 s10, $0x1;
	s10 =	sld [smem:$0x3FB1];
	_ =	sdelay $0x3  }
0x34: {  	[smem:$0x3FB1] =	sst s10  }
0x35: {  	s10 =	sld [smem:$0x3FB0];
	_ =	sdelay $0x3  }
0x36: {  	p1 =	seq.s32 s10, $0x1;
	s10 =	sld [smem:$0x3FB1];
	_ =	sdelay $0x3  }
0x37: {  	[smem:$0x3FB1] =	sst s10  }
0x38: {  	s10 =	sld [smem:$0x3FB2]  }
0x39: {  	_ = 	snop;
	(pc) =	sbr.ind lr, $3  }
0x3a: {  	_ = 	snop  }
0x3b: {  	_ = 	snop  }
0x3c: {  	p2 =	seq.s32 s10, $0x1;
	s10 =	sld [smem:$0x3FB1]  }
0x3d: {  	_ =	shalt  }
0x3e: {  	_ =	shalt  }
0x3f: {  	_ =	shalt  }
0x40: {  	_ =	shalt  }
0x41: {  	_ =	shalt  }
0x42: {  	_ =	shalt  }
0x43: {  	_ =	shalt  }
0x44: {  	_ =	shalt  }
0x45: {  	_ =	shalt  }
0x46: {  	_ =	shalt  }
0x47: {  	_ =	shalt  }
0x48: {  	_ =	shalt  }
0x49: {  	_ =	shalt  }
0x4a: {  	_ =	shalt  }
0x4b: {  	_ =	shalt  }
0x4c: {  	_ =	shalt  }
0x4d: {  	_ =	shalt  }
0x4e: {  	_ =	shalt  }
0x4f: {  	_ =	shalt  }
0x50: {  	_ =	shalt  }
0x51: {  	_ =	shalt  }
0x52: {  	_ =	shalt  }
0x53: {  	_ =	shalt  }
0x54: {  	_ =	shalt  }
0x55: {  	_ =	shalt  }
0x56: {  	_ =	shalt  }
0x57: {  	_ =	shalt  }
0x58: {  	_ =	shalt  }
0x59: {  	_ =	shalt  }
0x5a: {  	_ =	shalt  }
0x5b: {  	_ =	shalt  }
0x5c: {  	_ =	shalt  }
0x5d: {  	_ =	shalt  }
0x5e: {  	_ =	shalt  }
0x5f: {  	_ =	shalt  }
0x60: {  	_ =	shalt  }
0x61: {  	_ =	shalt  }
0x62: {  	_ =	shalt  }
0x63: {  	_ =	shalt  }
0x64: {  	_ =	shalt  }
0x65: {  	_ =	shalt  }
0x66: {  	_ =	shalt  }
0x67: {  	_ =	shalt  }
0x68: {  	_ =	shalt  }
0x69: {  	_ =	shalt  }
0x6a: {  	_ =	shalt  }
0x6b: {  	_ =	shalt  }
0x6c: {  	_ =	shalt  }
0x6d: {  	_ =	shalt  }
0x6e: {  	_ =	shalt  }
0x6f: {  	_ =	shalt  }
0x70: {  	_ =	shalt  }
0x71: {  	_ =	shalt  }
0x72: {  	_ =	shalt  }
0x73: {  	_ =	shalt  }
0x74: {  	_ =	shalt  }
0x75: {  	_ =	shalt  }
0x76: {  	_ =	shalt  }
0x77: {  	_ =	shalt  }
0x78: {  	_ =	shalt  }
0x79: {  	_ =	shalt  }
0x7a: {  	_ =	shalt  }
0x7b: {  	_ =	shalt  }
0x7c: {  	_ =	shalt  }
0x7d: {  	_ =	shalt  }
0x7e: {  	_ =	shalt  }
0x7f: {  	_ =	shalt  }
0x80: {  	_ =	shalt  }
0x81: {  	_ =	shalt  }
0x82: {  	_ =	shalt  }
0x83: {  	_ =	shalt  }
0x84: {  	_ =	shalt  }
0x85: {  	_ =	shalt  }
0x86: {  	_ =	shalt  }
0x87: {  	_ =	shalt  }
.Lfunc_end0:
.L_simem_size_0:
called_computation_lowered:
.L_overlay_start_0:
0x88: {  	s2 =	sld [smem:$0x3FD9]  }
0x89: {  	s3 =	sld [smem:$0x3FFE];
	_ =	sdelay $0x1  }
0x8a: {  	s1 =	srdreg.scid  }
0x8b: {  	s0 =	sand.u32 $0x1, s1  }
0x8c: {  	s16 =	sshll.u32 s0, $0xA;
	s2 =	sadd.s32 s3, s2  }
0x8d: {  	s2 =	sadd.s32 s2, s16  }
0x8e: {  	[smem:$0x3FBD] =	sst s2  }
0x8f: {  	_ = 	snop  }
0x90: {  	(tm) =	ssettm $0x1  }
0x91: {  	s17 =	sld [smem:$0x3FFB];
	_ =	sdelay $0x3  }
0x92: {  	_ =	strace s17  }
0x93: {  	s2 =	sld [smem:$0x3FFC];
	_ =	sdelay $0x3  }
0x94: {  	_ =	strace s2  }
0x95: {  	s2 =	sld [smem:$0x3FFD];
	_ =	sdelay $0x3  }
0x96: {  	_ =	strace s2  }
0x97: {  	_ =	strace $0x8FFFFFFF  }
0x98: {  	s18 =	sld [smem:$0x3FDB];
	_ =	sdelay $0x1  }
0x99: {  	s19 =	simm.s32 $_scs_section_size  }
0x9a: {  	s4 =	simm.s32 $_size__tile_overlayer_lowered;
	s5 =	simm.s32 $_tile_overlayer_lowered  }
0x9b: {  	s22 =	simm.s32 $0x1BFF;
	s21 =	sshll.u32 s5, $0x1;
	s2 =	sadd.s32 s19, s18  }
0x9c: {  	s6 =	simm.s32 $0x0;
	s20 =	sshll.u32 s4, $0x1;
	s4 =	sadd.s32 s21, s2  }
0x9d: {  	[timem:s6], [sflag:s22] =	dma.local [hbm:s4], s20  }
0x9e: {  	_ =	swait.ge [sflag:s22], s20  }
0x9f: {  	s3 =	ssub.s32 $0x0, s20;
	[sflag:s22] =	ssyncset.done $0x0  }
0xa0: {  	[sflag:s22] =	ssyncadd.s32 s3;
	_ =	sdelay $0x1  }
0xa1: {  	s23 =	simm.s32 $0x1B8B  }
0xa2: {  	_ =	swait.ge [sflag:s23], $0x1  }
0xa3: {  	[sflag:s23] =	ssyncset.done $0x0  }
0xa4: {  	s25 =	simm.s32 $0x1B8E;
	s24 =	sld [smem:$0x3FFE];
	[sflag:s23] =	ssyncadd.s32 $0xFFFFFFFF  }
0xa5: {  	s26 =	simm.s32 $execute0_lowered;
	[smem:$0x3FD2] =	sst s25  }
0xa6: {  	s4 =	sshll.u32 s26, $0x1;
	_ =	strace $0x80000046;
	[dreg:$0x1] =	wrdreg $0xFFFFFFFF  }
0xa7: {  	s28 =	simm.s32 $_size_execute0_lowered;
	s2 =	sadd.s32 s2, s4;
	[dreg:$0x0] =	wrdreg $0x0  }
0xa8: {  	s4 =	sshll.u32 s28, $0x1;
	[dreg:$0x2] =	wrdreg s2  }
0xa9: {  	[dreg:$0x3] =	wrdreg s4  }
0xaa: {  	[dreg:$0x4] =	wrdreg $0xC0  }
0xab: {  	_ =	task [dreg:s6], $0x5FFFF  }
0xac: {  	[dreg:$0x1] =	wrdreg $0xFFFFFFFF  }
0xad: {  	[dreg:$0x0] =	wrdreg $0x60  }
0xae: {  	[dreg:$0x2] =	wrdreg s24  }
0xaf: {  	[dreg:$0x3] =	wrdreg $0x45000  }
0xb0: {  	[dreg:$0x4] =	wrdreg $0x9  }
0xb1: {  	_ =	task.clear_ibuf [dreg:s6], $0x5FFFF;
	_ =	strace $0x90000046  }
0xb2: {  	s29 =	simm.s32 $0x9;
	_ =	strace $0x80000048  }
0xb3: {  	_ =	swait.ge [sflag:s29], $0x1  }
0xb4: {  	[sflag:s29] =	ssyncadd.s32 $0xFFFFFFFF  }
0xb5: {  	_ =	strace $0x90000048  }
0xb6: {  	_ =	sfence  }
0xb7: {  	s30 =	sld [smem:$0x0];
	_ =	sdelay $0x2  }
0xb8: {  	s31 =	sshll.u32 s1, $0xD;
	s1 =	sshrl.u32 s1, $0x2  }
0xb9: {  	s3 =	sand.u32 $0x4000, s31;
	s1 =	sadd.s32 s1, s30  }
0xba: {  	s0 =	sor.u32 s3, s0;
	s1 =	sshll.u32 s1, $0x11  }
0xbb: {  	s0 =	sor.u32 s1, s0  }
0xbc: {  	s0 =	sadd.s32 $0x8F2B, s0  }
0xbd: {  	[sflag:s0] =	ssyncadd.remote.s32 $0x1  }
0xbe: {  	_ =	sfence.sel $0xFFFF  }
0xbf: {  	[dreg:$0x0] =	wrdreg $0xFFFFFFFF;
	(pc) =	sbr.abs _section_cstart, $3  }
0xc0: {  	[dreg:$0x1] =	wrdreg $0xFFFFFFFF  }
0xc1: {  	_ =	task.clear_ibuf [dreg:s6], $0x2FFFF;
	_ =	strace $0x9FFFFFFF  }
0xc2: {  	(tm) =	ssettm $0x7FFFFFFF  }
0xc3: {  	_ =	shalt  }
tec
execute0_lowered:
.L_overlay_start_1:
0x0: {  	(tag) =	ssettag $0x1  }
0x1: {  	s6 =	rddreg [dreg:$0x0]  }
0x2: {  	s1 =	rddreg [dreg:$0x1];
	s3 =	srdreg.scid  }
0x3: {  	s0 =	rddreg [dreg:$0x2];
	s7 =	sand.u32 $0x1, s3  }
0x4: {  	s2 =	simm.s32 $0x0;
	s14 =	simm.s32 $0x100;
	s5 =	smul.u32 $0x4F00, s7  }
0x5: {  	s15 =	simm.s32 $0x1;
	s3 =	stileid.u32;
	s8 =	smul.u32 $0x27800, s7  }
0x6: {  	s16 =	simm.s32 $0x0;
	[smem:$0x7FF] =	sst s2;
	s10 =	smul.u32 $0x4F000, s3  }
0x7: {  	s4 =	sadd.s32 $0x16200, s6;
	s7 =	ssub.s32 $0x2, s7;
	s11 =	smul.u32 $0x4F0, s3  }
0x8: {  	_ =	strace $0x80000047;
	s13 =	smul.u32 $0x2780, s3;
	s12 =	sshrl.u32 s7, $0x1  }
0x9: {  	s9 =	sadd.s32 s5, s6;
	s5 =	sadd.s32 $0x3DA00, s6;
	s10 =	sshrl.u32 s10, $0x2  }
0xa: {  	s8 =	sadd.s32 s8, s6;
	s7 =	ssub.s32 s7, s12;
	s12 =	simm.s32 $0x2  }
0xb: {  	s6 =	sadd.s32 s10, s1;
	s7 =	smax.u32 s7, $0x1;
	s9 =	sadd.s32 s11, s9  }
0xc: {  	s31 =	sadd.s32 s13, s8;
	s11 =	simm.s32 $0x4100;
	s13 =	simm.s32 $0x80  }
0xd: {  	s8 =	sadd.s32 $0xC400, s9;
	s9 =	sadd.s32 $0x2600, s9;
	s10 =	sadd.s32 $0x3DC00, s31  }
.LBB2_1:
0xe: {  	[tilespmem:s11], [sflag:$0x2] =	stream.linear.gather [hbm4b:s5+s2], $0x400, $0x38;
	[tilespmem:$0x18100] =	vst v63  }
0xf: {  	_ =	swait.ge [sflag:s12], $0x400  }
0x10: {  	[sflag:s12] =	ssyncset.done $0x0  }
0x11: {  	s17 =	sadd.s32 $0x0, s6;
	[sflag:s12] =	ssyncadd.s32 $0xFFFFFC00  }
0x12: {  	[spmem:s17] =	stream.linear.scatter [tilespmem:s11], [sflag:$0x2], $0x400, $0x38;
	[tilespmem:$0x18100] =	vst v63  }
0x13: {  	s17 =	simm.s32 $0x1000;
	_ =	swait.ge [sflag:s12], $0x400  }
.LBB2_2:
0x14: {  	s18 =	sshra.s32 s17, $0x2;
	[sflag:s12] =	ssyncset.done $0x0;
	p0 =	sne.s32 s17, $0x4E000  }
.Ltmp0:
0x15: {  	s18 =	sadd.s32 s18, s6;
	[sflag:s12] =	ssyncadd.s32 $0xFFFFFC00;
	(pc) =	sbr.rel @p0 .LBB2_2-.Ltmp0, $3  }
0x16: {  	[spmem:s18] =	stream.linear.scatter [tilespmem:s11], [sflag:$0x2], $0x400, $0x38;
	[tilespmem:$0x18100] =	vst v63  }
0x17: {  	s17 =	sadd.s32 $0x1000, s17;
	_ =	sdelay $0x1  }
0x18: {  	_ =	swait.ge [sflag:s12], $0x400  }
0x19: {  	[sflag:s12] =	ssyncset.done $0x0  }
0x1a: {  	[sflag:s12] =	ssyncadd.s32 $0xFFFFFC00  }
0x1b: {  	s17 =	sadd.s32 $0x0, s9;
	[bflag:$0x0] =	sbarrier.arrive $0xFFFF  }
0x1c: {  	[tilespmem:s2], [sflag:$0x2] =	stream.linear.gather [hbm4b:s17+s2], $0x80, $0x38;
	[tilespmem:$0x18100] =	vst v63  }
0x1d: {  	_ =	swait.ge [sflag:s12], $0x80  }
0x1e: {  	[sflag:s12] =	ssyncset.done $0x0  }
0x1f: {  	s31 =	sadd.s32 $0x0, s8;
	[sflag:s12] =	ssyncadd.s32 $0xFFFFFF80  }
0x20: {  	[tilespmem:s13], [sflag:$0x2] =	stream.linear.gather [hbm4b:s31+s2], $0x80, $0x38;
	[tilespmem:$0x18100] =	vst v63  }
0x21: {  	_ =	swait.ge [sflag:s12], $0x80  }
0x22: {  	[sflag:s12] =	ssyncset.done $0x0  }
0x23: {  	[sflag:s12] =	ssyncadd.s32 $0xFFFFFF80  }
0x24: {  	[tilespmem:s14], [sflag:$0x1] =	stream.indirect.gather [hbm4b:s4+s13], $0x80, s2, s13, $0xb8;
	[tilespmem:$0x18100] =	vst v63  }
0x25: {  	_ =	swait.ge [sflag:s15], $0x4000  }
0x26: {  	[sflag:s15] =	ssyncset.done $0x0  }
0x27: {  	[sflag:s15] =	ssyncadd.s32 $0xFFFFC000  }
0x28: {  	[spmem:s1] =	stream.indirect.scatter.add.f32 [tilespmem:s14], [sflag:$0x2], $0x80, s13, s13, $0xb8;
	[tilespmem:$0x18100] =	vst v63  }
0x29: {  	_ =	swait.ge [sflag:s12], $0x4000  }
0x2a: {  	s18 =	simm.s32 $0x20;
	s17 =	simm.s32 $0x10;
	[sflag:s12] =	ssyncset.done $0x0  }
.LBB2_4:
0x2b: {  	s19 =	sadd.s32 s17, s9  }
0x2c: {  	[sflag:s12] =	ssyncadd.s32 $0xFFFFC000;
	s20 =	smov.u32 s18;
	s21 =	sadd.s32 $0x10, s18  }
0x2d: {  	[tilespmem:s2], [sflag:$0x2] =	stream.linear.gather [hbm4b:s19+s2], $0x80, $0x38;
	[tilespmem:$0x18100] =	vst v63  }
0x2e: {  	p0 =	sne.s32 s18, $0x4E0;
	_ =	swait.ge [sflag:s12], $0x80  }
0x2f: {  	[sflag:s12] =	ssyncset.done $0x0  }
0x30: {  	s18 =	sadd.s32 s17, s8;
	s17 =	smov.u32 s20;
	[sflag:s12] =	ssyncadd.s32 $0xFFFFFF80  }
0x31: {  	[tilespmem:s13], [sflag:$0x2] =	stream.linear.gather [hbm4b:s18+s2], $0x80, $0x38;
	[tilespmem:$0x18100] =	vst v63  }
0x32: {  	_ =	swait.ge [sflag:s12], $0x80  }
0x33: {  	[sflag:s12] =	ssyncset.done $0x0  }
0x34: {  	[sflag:s12] =	ssyncadd.s32 $0xFFFFFF80  }
0x35: {  	[tilespmem:s14], [sflag:$0x1] =	stream.indirect.gather [hbm4b:s4+s13], $0x80, s2, s13, $0xb8;
	[tilespmem:$0x18100] =	vst v63  }
0x36: {  	_ =	swait.ge [sflag:s15], $0x4000  }
.Ltmp1:
0x37: {  	[sflag:s15] =	ssyncset.done $0x0;
	(pc) =	sbr.rel @p0 .LBB2_4-.Ltmp1, $4  }
0x38: {  	[sflag:s15] =	ssyncadd.s32 $0xFFFFC000  }
0x39: {  	[spmem:s1] =	stream.indirect.scatter.add.f32 [tilespmem:s14], [sflag:$0x2], $0x80, s13, s13, $0xb8;
	[tilespmem:$0x18100] =	vst v63  }
0x3a: {  	_ =	swait.ge [sflag:s12], $0x4000  }
0x3b: {  	s18 =	smov.u32 s21;
	[sflag:s12] =	ssyncset.done $0x0  }
0x3c: {  	s18 =	sadd.s32 s17, s9;
	[sflag:s12] =	ssyncadd.s32 $0xFFFFC000  }
0x3d: {  	[tilespmem:s2], [sflag:$0x2] =	stream.linear.gather [hbm4b:s18+s2], $0x80, $0x38;
	[tilespmem:$0x18100] =	vst v63  }
0x3e: {  	_ =	swait.ge [sflag:s12], $0x80  }
0x3f: {  	[sflag:s12] =	ssyncset.done $0x0  }
0x40: {  	s30 =	sadd.s32 s17, s8;
	[sflag:s12] =	ssyncadd.s32 $0xFFFFFF80  }
0x41: {  	[tilespmem:s13], [sflag:$0x2] =	stream.linear.gather [hbm4b:s30+s2], $0x80, $0x38;
	[tilespmem:$0x18100] =	vst v63  }
0x42: {  	_ =	swait.ge [sflag:s12], $0x80  }
0x43: {  	[sflag:s12] =	ssyncset.done $0x0  }
0x44: {  	[sflag:s12] =	ssyncadd.s32 $0xFFFFFF80  }
0x45: {  	[tilespmem:s14], [sflag:$0x1] =	stream.indirect.gather [hbm4b:s4+s13], $0x80, s2, s13, $0xb8;
	[tilespmem:$0x18100] =	vst v63  }
0x46: {  	_ =	swait.ge [sflag:s15], $0x4000  }
0x47: {  	[sflag:s15] =	ssyncset.done $0x0  }
0x48: {  	[sflag:s15] =	ssyncadd.s32 $0xFFFFC000  }
0x49: {  	[spmem:s1] =	stream.indirect.scatter.add.f32 [tilespmem:s14], [sflag:$0x2], $0x80, s13, s13, $0xb8;
	[tilespmem:$0x18100] =	vst v63  }
0x4a: {  	_ =	swait.ge [sflag:s12], $0x4000  }
0x4b: {  	[sflag:s12] =	ssyncset.done $0x0  }
0x4c: {  	[sflag:s12] =	ssyncadd.s32 $0xFFFFC000  }
0x4d: {  	[bflag:$0x0] =	sbarrier.arrive $0xFFFF  }
0x4e: {  	[tilespmem:s11], [sflag:$0x2] =	stream.linear.gather [spmem:s6], $0x400, $0x38;
	[tilespmem:$0x18100] =	vst v63  }
0x4f: {  	_ =	swait.ge [sflag:s12], $0x400  }
0x50: {  	[sflag:s12] =	ssyncset.done $0x0  }
0x51: {  	s31 =	sadd.s32 $0x0, s10;
	[sflag:s12] =	ssyncadd.s32 $0xFFFFFC00  }
0x52: {  	[hbm4b:s31+s2] =	stream.linear.scatter [tilespmem:s11], [sflag:$0x2], $0x400, $0x38;
	[tilespmem:$0x18100] =	vst v63  }
0x53: {  	_ =	swait.ge [sflag:s12], $0x400  }
0x54: {  	s17 =	simm.s32 $0x80;
	s18 =	smov.u32 s6;
	[sflag:s12] =	ssyncset.done $0x0  }
.LBB2_6:
0x55: {  	p0 =	sne.s32 s17, $0x2700;
	[sflag:s12] =	ssyncadd.s32 $0xFFFFFC00;
	s18 =	sadd.s32 $0x400, s18  }
0x56: {  	[tilespmem:s11], [sflag:$0x2] =	stream.linear.gather [spmem:s18], $0x400, $0x38;
	[tilespmem:$0x18100] =	vst v63  }
0x57: {  	s19 =	smov.u32 s17;
	s17 =	sadd.s32 $0x80, s17;
	_ =	swait.ge [sflag:s12], $0x400  }
.Ltmp2:
0x58: {  	[sflag:s12] =	ssyncset.done $0x0;
	(pc) =	sbr.rel @p0 .LBB2_6-.Ltmp2, $4  }
0x59: {  	s19 =	sadd.s32 s19, s10;
	[sflag:s12] =	ssyncadd.s32 $0xFFFFFC00  }
0x5a: {  	[hbm4b:s19+s2] =	stream.linear.scatter [tilespmem:s11], [sflag:$0x2], $0x400, $0x38;
	[tilespmem:$0x18100] =	vst v63  }
0x5b: {  	_ =	swait.ge [sflag:s12], $0x400  }
0x5c: {  	[sflag:s12] =	ssyncset.done $0x0  }
0x5d: {  	s16 =	sadd.s32 $0x1, s16  }
0x5e: {  	p0 =	sne.s32 s16, s7  }
.Ltmp3:
0x5f: {  	_ = 	snop;
	(pc) =	sbr.rel @p0 .LBB2_1-.Ltmp3, $2  }
0x60: {  	_ =	sdelay $0x2  }
0x61: {  	[sflag:s12] =	ssyncadd.s32 $0xFFFFFC00  }
0x62: {  	_ =	sfence.sel $0x180000  }
0x63: {  	[bflag:$0x0] =	sbarrier.arrive $0xFFFF  }
0x64: {  	p0 =	sne.s32 s3, $0x0;
	_ =	strace $0x90000047  }
0x65: {  	s0 =	sadd.s32 @!p0 $0x100000, s0;
	[bflag:$0x2] =	sbarrier.arrive $0xFFFF  }
0x66: {  	[sflag:s0] =	ssyncadd.tile.s32 @!p0 $0x1;
	_ =	shalt  }
.Lfunc_end2:
_tile_overlayer_lowered:
.L_overlay_start_2:
0x67: {  	(tag) =	ssettag $0x2  }
0x68: {  	s0 =	rddreg [dreg:$0x0];
	s2 =	stileid.u32  }
0x69: {  	s1 =	rddreg [dreg:$0x1];
	p0 =	sne.s32 s2, $0x0  }
0x6a: {  	s3 =	rddreg [dreg:$0x2];
	[bflag:$0x3] =	sbarrier.arrive $0xFFFF;
	s2 =	simm.s32 @!p0 $0x1C02  }
0x6b: {  	[timem:s3], [sflag:s2] =	dma.local @!p0 [hbm:s0], s1  }
0x6c: {  	s0 =	simm.s32 @!p0 $0x2  }
0x6d: {  	_ =	swait.ge @!p0 [sflag:s0], s1  }
0x6e: {  	s1 =	ssub.s32 @!p0 $0x0, s1;
	[sflag:s0] =	ssyncset.done @!p0 $0x0  }
0x6f: {  	[sflag:s0] =	ssyncadd.s32 @!p0 s1  }
0x70: {  	[bflag:$0x3] =	sbarrier.arrive $0xFFFF  }
0x71: {  	_ =	shalt  }

// kernel: kernel.13.cloned.1.call-start
scs
__scs_entry_jumppad:
0x0: {  	(pc) =	sbr.rel $0x88, $3  }
0x1: {  	(tag) =	ssettag $0x0;
	lr =	simm.s32 $0x1  }
0x2: {  	[smem:$0x3F96] =	sst lr;
	_ =	strace $0xD0000000  }
0x3: {  	_ = 	snop  }
0x4: {  	_ = 	snop  }
0x5: {  	_ = 	snop  }
0x6: {  	_ = 	snop  }
0x7: {  	_ = 	snop  }
__scs_overlays_trampoline_lowered:
0x8: {  	[smem:$0x3FA5] =	sst s0  }
0x9: {  	[smem:$0x3FA6] =	sst s1  }
0xa: {  	[smem:$0x3FA7] =	sst s2  }
0xb: {  	[smem:$0x3FA8] =	sst s3  }
0xc: {  	[smem:$0x3FA9] =	sst s4  }
0xd: {  	[smem:$0x3FAA] =	sst s5  }
0xe: {  	[smem:$0x3FAB] =	sst s6  }
0xf: {  	[smem:$0x3FAC] =	sst s7  }
0x10: {  	[smem:$0x3FAD] =	sst s8  }
0x11: {  	[smem:$0x3FAE] =	sst s9;
	s0 =	simm.s32 @!p0 $0x0  }
0x12: {  	s1 =	sld [smem:$0x3F94];
	s0 =	simm.s32 @p0 $0x1  }
0x13: {  	[smem:$0x3FAF] =	sst s0;
	s0 =	simm.s32 @!p1 $0x0  }
0x14: {  	s2 =	sld [smem:$0x3F93];
	s0 =	simm.s32 @p1 $0x1  }
0x15: {  	[smem:$0x3FB0] =	sst s0;
	s0 =	simm.s32 @!p2 $0x0  }
0x16: {  	s3 =	sld [smem:$0x3FDB];
	s0 =	simm.s32 @p2 $0x1  }
0x17: {  	s4 =	simm.s32 $0x1BF5;
	[smem:$0x3FB2] =	sst s0  }
0x18: {  	s0 =	sld [smem:$0x3F95];
	_ =	swait.ge [sflag:s4], $0x0  }
0x19: {  	s7 =	sld [smem:$0x3F96]  }
0x1a: {  	s8 =	sadd.s32 $0xFFFFE003, lr  }
0x1b: {  	s9 =	sadd.s32 $0xFFFFFEF7, lr;
	s5 =	simm.s32 $0xFFFFFFFF;
	p2 =	slt.u32 s8, $0xFFFFF086  }
0x1c: {  	p1 =	slt.u32 s9, $0xF7A;
	s5 =	simm.s32 @!p2 $0x0  }
0x1d: {  	s5 =	simm.s32 @p1 $0x1;
	p0 =	seq.s32 s7, s2  }
0x1e: {  	s7 =	smul.u32 @!p0 $0xF7A, s2;
	p2 =	seq.s32 @!p0 s5, $0x0  }
0x1f: {  	s9 =	smul.u32 $0xF7A, s1;
	s8 =	simm.s32 @!p0 $0x1BF5;
	p2 =	por !p2, p0  }
0x20: {  	[sflag:s8] =	ssyncset.s32 @!p0 $0xFFFFF086;
	s6 =	sadd.s32 @!p0 s3, s7;
	s7 =	simm.s32 @!p0 $0x108  }
0x21: {  	s3 =	sadd.s32 s3, s9;
	s6 =	sadd.s32 @!p0 $0x88, s6;
	s7 =	simm.s32 @p2 $0x1082  }
0x22: {  	[simem:s7], [sflag:s8] =	dma.local @!p0 [hbm:s6], $0xF7A  }
0x23: {  	s9 =	sor.u32 $0xD0000000, s2;
	s6 =	simm.s32 $0x108;
	_ =	swait.ge @!p0 [sflag:s8], $0x0  }
0x24: {  	s3 =	sadd.s32 $0x88, s3;
	s6 =	simm.s32 @!p1 $0x1082;
	[sflag:s4] =	ssyncset.s32 $0xFFFFF086  }
0x25: {  	[simem:s6], [sflag:s4] =	dma.local [hbm:s3], $0xF7A  }
0x26: {  	[smem:$0x3F96] =	sst s1;
	(tag) =	ssettag s2;
	_ =	strace s9  }
0x27: {  	s1 =	sld [smem:$0x3FA6]  }
0x28: {  	s2 =	sld [smem:$0x3FA7]  }
0x29: {  	s4 =	sld [smem:$0x3FA9]  }
0x2a: {  	p0 =	seq.s32 s5, $0x0;
	s5 =	sld [smem:$0x3FAA]  }
0x2b: {  	s6 =	sld [smem:$0x3FAB]  }
0x2c: {  	s7 =	sld [smem:$0x3FAC]  }
0x2d: {  	s3 =	simm.s32 $0x108;
	s8 =	sld [smem:$0x3FAD]  }
0x2e: {  	s3 =	simm.s32 @!p0 $0x1082;
	s9 =	sld [smem:$0x3FAE]  }
0x2f: {  	lr =	sadd.s32 s0, s3;
	s0 =	sld [smem:$0x3FA5]  }
0x30: {  	s3 =	sld [smem:$0x3FA8]  }
0x31: {  	[smem:$0x3FB1] =	sst s10  }
0x32: {  	s10 =	sld [smem:$0x3FAF];
	_ =	sdelay $0x3  }
0x33: {  	p0 =	seq.s32 s10, $0x1;
	s10 =	sld [smem:$0x3FB1];
	_ =	sdelay $0x3  }
0x34: {  	[smem:$0x3FB1] =	sst s10  }
0x35: {  	s10 =	sld [smem:$0x3FB0];
	_ =	sdelay $0x3  }
0x36: {  	p1 =	seq.s32 s10, $0x1;
	s10 =	sld [smem:$0x3FB1];
	_ =	sdelay $0x3  }
0x37: {  	[smem:$0x3FB1] =	sst s10  }
0x38: {  	s10 =	sld [smem:$0x3FB2]  }
0x39: {  	_ = 	snop;
	(pc) =	sbr.ind lr, $3  }
0x3a: {  	_ = 	snop  }
0x3b: {  	_ = 	snop  }
0x3c: {  	p2 =	seq.s32 s10, $0x1;
	s10 =	sld [smem:$0x3FB1]  }
0x3d: {  	_ =	shalt  }
0x3e: {  	_ =	shalt  }
0x3f: {  	_ =	shalt  }
0x40: {  	_ =	shalt  }
0x41: {  	_ =	shalt  }
0x42: {  	_ =	shalt  }
0x43: {  	_ =	shalt  }
0x44: {  	_ =	shalt  }
0x45: {  	_ =	shalt  }
0x46: {  	_ =	shalt  }
0x47: {  	_ =	shalt  }
0x48: {  	_ =	shalt  }
0x49: {  	_ =	shalt  }
0x4a: {  	_ =	shalt  }
0x4b: {  	_ =	shalt  }
0x4c: {  	_ =	shalt  }
0x4d: {  	_ =	shalt  }
0x4e: {  	_ =	shalt  }
0x4f: {  	_ =	shalt  }
0x50: {  	_ =	shalt  }
0x51: {  	_ =	shalt  }
0x52: {  	_ =	shalt  }
0x53: {  	_ =	shalt  }
0x54: {  	_ =	shalt  }
0x55: {  	_ =	shalt  }
0x56: {  	_ =	shalt  }
0x57: {  	_ =	shalt  }
0x58: {  	_ =	shalt  }
0x59: {  	_ =	shalt  }
0x5a: {  	_ =	shalt  }
0x5b: {  	_ =	shalt  }
0x5c: {  	_ =	shalt  }
0x5d: {  	_ =	shalt  }
0x5e: {  	_ =	shalt  }
0x5f: {  	_ =	shalt  }
0x60: {  	_ =	shalt  }
0x61: {  	_ =	shalt  }
0x62: {  	_ =	shalt  }
0x63: {  	_ =	shalt  }
0x64: {  	_ =	shalt  }
0x65: {  	_ =	shalt  }
0x66: {  	_ =	shalt  }
0x67: {  	_ =	shalt  }
0x68: {  	_ =	shalt  }
0x69: {  	_ =	shalt  }
0x6a: {  	_ =	shalt  }
0x6b: {  	_ =	shalt  }
0x6c: {  	_ =	shalt  }
0x6d: {  	_ =	shalt  }
0x6e: {  	_ =	shalt  }
0x6f: {  	_ =	shalt  }
0x70: {  	_ =	shalt  }
0x71: {  	_ =	shalt  }
0x72: {  	_ =	shalt  }
0x73: {  	_ =	shalt  }
0x74: {  	_ =	shalt  }
0x75: {  	_ =	shalt  }
0x76: {  	_ =	shalt  }
0x77: {  	_ =	shalt  }
0x78: {  	_ =	shalt  }
0x79: {  	_ =	shalt  }
0x7a: {  	_ =	shalt  }
0x7b: {  	_ =	shalt  }
0x7c: {  	_ =	shalt  }
0x7d: {  	_ =	shalt  }
0x7e: {  	_ =	shalt  }
0x7f: {  	_ =	shalt  }
0x80: {  	_ =	shalt  }
0x81: {  	_ =	shalt  }
0x82: {  	_ =	shalt  }
0x83: {  	_ =	shalt  }
0x84: {  	_ =	shalt  }
0x85: {  	_ =	shalt  }
0x86: {  	_ =	shalt  }
0x87: {  	_ =	shalt  }
.Lfunc_end0:
.L_simem_size_0:
called_computation.1_lowered:
.L_overlay_start_0:
0x88: {  	s2 =	sld [smem:$0x3FD9]  }
0x89: {  	s3 =	sld [smem:$0x3FFE];
	_ =	sdelay $0x1  }
0x8a: {  	s1 =	srdreg.scid  }
0x8b: {  	s0 =	sand.u32 $0x1, s1  }
0x8c: {  	s17 =	sshll.u32 s0, $0xA;
	s2 =	sadd.s32 s3, s2  }
0x8d: {  	s2 =	sadd.s32 s2, s17  }
0x8e: {  	[smem:$0x3FBD] =	sst s2  }
0x8f: {  	_ = 	snop  }
0x90: {  	(tm) =	ssettm $0x1  }
0x91: {  	s18 =	sld [smem:$0x3FFB];
	_ =	sdelay $0x3  }
0x92: {  	_ =	strace s18  }
0x93: {  	s2 =	sld [smem:$0x3FFC];
	_ =	sdelay $0x3  }
0x94: {  	_ =	strace s2  }
0x95: {  	s2 =	sld [smem:$0x3FFD];
	_ =	sdelay $0x3  }
0x96: {  	_ =	strace s2  }
0x97: {  	_ =	strace $0x8FFFFFFF  }
0x98: {  	s19 =	sld [smem:$0x3FDB];
	_ =	sdelay $0x1  }
0x99: {  	s20 =	simm.s32 $_scs_section_size  }
0x9a: {  	s4 =	simm.s32 $_size__tile_overlayer_lowered;
	s5 =	simm.s32 $_tile_overlayer_lowered  }
0x9b: {  	s6 =	simm.s32 $0x1BFF;
	s21 =	sshll.u32 s5, $0x1;
	s3 =	sadd.s32 s20, s19  }
0x9c: {  	s22 =	simm.s32 $0x0;
	s4 =	sshll.u32 s4, $0x1;
	s5 =	sadd.s32 s21, s3  }
0x9d: {  	[timem:s22], [sflag:s6] =	dma.local [hbm:s5], s4  }
0x9e: {  	_ =	swait.ge [sflag:s6], s4  }
0x9f: {  	s4 =	ssub.s32 $0x0, s4;
	[sflag:s6] =	ssyncset.done $0x0  }
0xa0: {  	[sflag:s6] =	ssyncadd.s32 s4;
	_ =	sdelay $0x1  }
0xa1: {  	s23 =	simm.s32 $0x1B8B  }
0xa2: {  	_ =	swait.ge [sflag:s23], $0x1  }
0xa3: {  	[sflag:s23] =	ssyncset.done $0x0  }
0xa4: {  	[sflag:s23] =	ssyncadd.s32 $0xFFFFFFFF  }
0xa5: {  	s4 =	sld [smem:$0x0]  }
0xa6: {  	s5 =	sand.u32 $0xFFFFFFFE, s1  }
0xa7: {  	p0 =	sne.s32 s1, s5  }
0xa8: {  	s5 =	sshll.u32 @p0 s5, $0xE  }
0xa9: {  	s5 =	sadd.s32 @p0 $0x11B8D, s5;
	s6 =	sshll.u32 @p0 s4, $0x11  }
0xaa: {  	s5 =	sor.u32 @p0 s6, s5  }
0xab: {  	[sflag:s5] =	ssyncadd.remote.s32 @p0 $0x1;
	_ =	sdelay $0x1  }
0xac: {  	s5 =	simm.s32 @p0 $0x1B8D  }
0xad: {  	_ =	swait.eq @p0 [sflag:s5], $0x1  }
0xae: {  	[sflag:s5] =	ssyncadd.s32 @p0 $0xFFFFFFFF  }
0xaf: {  	s6 =	sshll.u32 @!p0 s1, $0xE  }
0xb0: {  	s6 =	sor.u32 @!p0 $0x4000, s6;
	s5 =	simm.s32 @!p0 $0x1B8D  }
0xb1: {  	s4 =	sshll.u32 @!p0 s4, $0x11;
	s6 =	sadd.s32 @!p0 $0x11B8D, s6;
	_ =	swait.eq @!p0 [sflag:s5], $0x1  }
0xb2: {  	s4 =	sor.u32 @!p0 s4, s6;
	[sflag:s5] =	ssyncadd.s32 @!p0 $0xFFFFFFFF  }
0xb3: {  	s25 =	simm.s32 $0x1B8E;
	s24 =	sld [smem:$0x3FFE];
	[sflag:s4] =	ssyncadd.remote.s32 @!p0 $0x1  }
0xb4: {  	s26 =	simm.s32 $execute0_lowered;
	[smem:$0x3FD2] =	sst s25  }
0xb5: {  	s5 =	sshll.u32 s26, $0x1;
	_ =	strace $0x80000049;
	[dreg:$0x1] =	wrdreg $0xFFFFFFFF  }
0xb6: {  	s28 =	simm.s32 $_size_execute0_lowered;
	s3 =	sadd.s32 s3, s5;
	[dreg:$0x0] =	wrdreg $0x0  }
0xb7: {  	s5 =	sshll.u32 s28, $0x1;
	[dreg:$0x2] =	wrdreg s3  }
0xb8: {  	[dreg:$0x3] =	wrdreg s5  }
0xb9: {  	[dreg:$0x4] =	wrdreg $0xC0  }
0xba: {  	_ =	task [dreg:s22], $0x5FFFF  }
0xbb: {  	[dreg:$0x1] =	wrdreg $0xFFFFFFFF  }
0xbc: {  	[dreg:$0x0] =	wrdreg $0x60  }
0xbd: {  	[dreg:$0x2] =	wrdreg s24  }
0xbe: {  	[dreg:$0x3] =	wrdreg $0x44800  }
0xbf: {  	[dreg:$0x4] =	wrdreg $0xA  }
0xc0: {  	_ =	task.clear_ibuf [dreg:s22], $0x5FFFF;
	_ =	strace $0x90000049  }
0xc1: {  	s29 =	simm.s32 $0xA;
	_ =	strace $0x8000004B  }
0xc2: {  	_ =	swait.ge [sflag:s29], $0x1  }
0xc3: {  	[sflag:s29] =	ssyncadd.s32 $0xFFFFFFFF  }
0xc4: {  	_ =	strace $0x9000004B  }
0xc5: {  	_ =	sfence  }
0xc6: {  	s30 =	sld [smem:$0x0];
	_ =	sdelay $0x2  }
0xc7: {  	s31 =	sshll.u32 s1, $0xD;
	s1 =	sshrl.u32 s1, $0x2  }
0xc8: {  	s4 =	sand.u32 $0x4000, s31;
	s1 =	sadd.s32 s1, s30  }
0xc9: {  	s0 =	sor.u32 s4, s0;
	s1 =	sshll.u32 s1, $0x11  }
0xca: {  	s0 =	sor.u32 s1, s0  }
0xcb: {  	s0 =	sadd.s32 $0x8F2B, s0  }
0xcc: {  	[sflag:s0] =	ssyncadd.remote.s32 $0x1  }
0xcd: {  	_ =	sfence.sel $0xFFFF  }
0xce: {  	[dreg:$0x0] =	wrdreg $0xFFFFFFFF;
	(pc) =	sbr.abs _section_cstart, $3  }
0xcf: {  	[dreg:$0x1] =	wrdreg $0xFFFFFFFF  }
0xd0: {  	_ =	task.clear_ibuf [dreg:s22], $0x2FFFF;
	_ =	strace $0x9FFFFFFF  }
0xd1: {  	(tm) =	ssettm $0x7FFFFFFF  }
tec
execute0_lowered:
.L_overlay_start_1:
0x0: {  	(tag) =	ssettag $0x1  }
0x1: {  	s6 =	rddreg [dreg:$0x0];
	s3 =	srdreg.scid  }
0x2: {  	s1 =	rddreg [dreg:$0x1];
	s7 =	sand.u32 $0x1, s3  }
0x3: {  	s0 =	rddreg [dreg:$0x2];
	s4 =	smul.u32 $0x4F00, s7  }
0x4: {  	s2 =	simm.s32 $0x0;
	s3 =	stileid.u32;
	s8 =	smul.u32 $0x27800, s7  }
0x5: {  	[smem:$0x7FF] =	sst s2;
	s10 =	smul.u32 $0x4F000, s3  }
0x6: {  	s5 =	sadd.s32 $0x8CC00, s6;
	s7 =	ssub.s32 $0x2, s7;
	s11 =	smul.u32 $0x4F0, s3  }
0x7: {  	_ =	strace $0x8000004A;
	s13 =	smul.u32 $0x2780, s3;
	s12 =	sshrl.u32 s7, $0x1  }
0x8: {  	s9 =	sadd.s32 s4, s6;
	s4 =	sadd.s32 $0x3DA00, s6;
	s10 =	sshrl.u32 s10, $0x2  }
0x9: {  	s8 =	sadd.s32 s8, s6;
	s7 =	ssub.s32 s7, s12;
	s12 =	simm.s32 $0x80  }
0xa: {  	s6 =	sadd.s32 s10, s1;
	s7 =	smax.u32 s7, $0x1;
	s9 =	sadd.s32 s11, s9  }
0xb: {  	s31 =	sadd.s32 s13, s8;
	s10 =	simm.s32 $0x4080;
	s11 =	simm.s32 $0x1  }
0xc: {  	s13 =	simm.s32 $0x0;
	s8 =	sadd.s32 $0xC400, s9;
	s9 =	sadd.s32 $0x8D400, s31  }
.LBB2_1:
0xd: {  	[tilespmem:s10], [sflag:$0x1] =	stream.linear.gather [hbm4b:s4+s2], $0x400, $0x38;
	[tilespmem:$0x18080] =	vst v63  }
0xe: {  	_ =	swait.ge [sflag:s11], $0x400  }
0xf: {  	[sflag:s11] =	ssyncset.done $0x0  }
0x10: {  	s14 =	sadd.s32 $0x0, s6;
	[sflag:s11] =	ssyncadd.s32 $0xFFFFFC00  }
0x11: {  	[spmem:s14] =	stream.linear.scatter [tilespmem:s10], [sflag:$0x1], $0x400, $0x38;
	[tilespmem:$0x18080] =	vst v63  }
0x12: {  	s14 =	simm.s32 $0x1000;
	_ =	swait.ge [sflag:s11], $0x400  }
.LBB2_2:
0x13: {  	s15 =	sshra.s32 s14, $0x2;
	[sflag:s11] =	ssyncset.done $0x0;
	p0 =	sne.s32 s14, $0x4E000  }
.Ltmp0:
0x14: {  	s15 =	sadd.s32 s15, s6;
	[sflag:s11] =	ssyncadd.s32 $0xFFFFFC00;
	(pc) =	sbr.rel @p0 .LBB2_2-.Ltmp0, $3  }
0x15: {  	[spmem:s15] =	stream.linear.scatter [tilespmem:s10], [sflag:$0x1], $0x400, $0x38;
	[tilespmem:$0x18080] =	vst v63  }
0x16: {  	s14 =	sadd.s32 $0x1000, s14;
	_ =	sdelay $0x1  }
0x17: {  	_ =	swait.ge [sflag:s11], $0x400  }
0x18: {  	[sflag:s11] =	ssyncset.done $0x0  }
0x19: {  	s14 =	simm.s32 $0x0;
	[sflag:s11] =	ssyncadd.s32 $0xFFFFFC00  }
0x1a: {  	[tilespmem:s12], [sflag:$0x1] =	stream.linear.gather [hbm4b:s5+s14], $0x4000, $0x38;
	[tilespmem:$0x18080] =	vst v63  }
0x1b: {  	_ =	swait.ge [sflag:s11], $0x4000  }
0x1c: {  	[sflag:s11] =	ssyncset.done $0x0  }
0x1d: {  	[sflag:s11] =	ssyncadd.s32 $0xFFFFC000  }
0x1e: {  	s31 =	sadd.s32 $0x0, s8;
	[bflag:$0x0] =	sbarrier.arrive $0xFFFF  }
0x1f: {  	[tilespmem:s2], [sflag:$0x1] =	stream.linear.gather [hbm4b:s31+s2], $0x80, $0x38;
	[tilespmem:$0x18080] =	vst v63  }
0x20: {  	_ =	swait.ge [sflag:s11], $0x80  }
0x21: {  	[sflag:s11] =	ssyncset.done $0x0  }
0x22: {  	[sflag:s11] =	ssyncadd.s32 $0xFFFFFF80  }
0x23: {  	[spmem:s1] =	stream.indirect.scatter.add.f32 [tilespmem:s12], [sflag:$0x1], $0x80, s2, s12, $0xb8;
	[tilespmem:$0x18080] =	vst v63  }
0x24: {  	_ =	swait.ge [sflag:s11], $0x4000  }
0x25: {  	s15 =	simm.s32 $0x20;
	s14 =	simm.s32 $0x10;
	[sflag:s11] =	ssyncset.done $0x0  }
.LBB2_4:
0x26: {  	s16 =	sadd.s32 s14, s8  }
0x27: {  	[sflag:s11] =	ssyncadd.s32 $0xFFFFC000;
	s14 =	smov.u32 s15;
	s17 =	sadd.s32 $0x10, s15  }
0x28: {  	[tilespmem:s2], [sflag:$0x1] =	stream.linear.gather [hbm4b:s16+s2], $0x80, $0x38;
	[tilespmem:$0x18080] =	vst v63  }
0x29: {  	p0 =	sne.s32 s15, $0x4E0;
	_ =	swait.ge [sflag:s11], $0x80  }
.Ltmp1:
0x2a: {  	[sflag:s11] =	ssyncset.done $0x0;
	(pc) =	sbr.rel @p0 .LBB2_4-.Ltmp1, $4  }
0x2b: {  	[sflag:s11] =	ssyncadd.s32 $0xFFFFFF80  }
0x2c: {  	[spmem:s1] =	stream.indirect.scatter.add.f32 [tilespmem:s12], [sflag:$0x1], $0x80, s2, s12, $0xb8;
	[tilespmem:$0x18080] =	vst v63  }
0x2d: {  	_ =	swait.ge [sflag:s11], $0x4000  }
0x2e: {  	s15 =	smov.u32 s17;
	[sflag:s11] =	ssyncset.done $0x0  }
0x2f: {  	s14 =	sadd.s32 s14, s8;
	[sflag:s11] =	ssyncadd.s32 $0xFFFFC000  }
0x30: {  	[tilespmem:s2], [sflag:$0x1] =	stream.linear.gather [hbm4b:s14+s2], $0x80, $0x38;
	[tilespmem:$0x18080] =	vst v63  }
0x31: {  	_ =	swait.ge [sflag:s11], $0x80  }
0x32: {  	[sflag:s11] =	ssyncset.done $0x0  }
0x33: {  	[sflag:s11] =	ssyncadd.s32 $0xFFFFFF80  }
0x34: {  	[spmem:s1] =	stream.indirect.scatter.add.f32 [tilespmem:s12], [sflag:$0x1], $0x80, s2, s12, $0xb8;
	[tilespmem:$0x18080] =	vst v63  }
0x35: {  	_ =	swait.ge [sflag:s11], $0x4000  }
0x36: {  	[sflag:s11] =	ssyncset.done $0x0  }
0x37: {  	[sflag:s11] =	ssyncadd.s32 $0xFFFFC000  }
0x38: {  	[bflag:$0x0] =	sbarrier.arrive $0xFFFF  }
0x39: {  	[tilespmem:s10], [sflag:$0x1] =	stream.linear.gather [spmem:s6], $0x400, $0x38;
	[tilespmem:$0x18080] =	vst v63  }
0x3a: {  	_ =	swait.ge [sflag:s11], $0x400  }
0x3b: {  	[sflag:s11] =	ssyncset.done $0x0  }
0x3c: {  	s31 =	sadd.s32 $0x0, s9;
	[sflag:s11] =	ssyncadd.s32 $0xFFFFFC00  }
0x3d: {  	[hbm4b:s31+s2] =	stream.linear.scatter [tilespmem:s10], [sflag:$0x1], $0x400, $0x38;
	[tilespmem:$0x18080] =	vst v63  }
0x3e: {  	_ =	swait.ge [sflag:s11], $0x400  }
0x3f: {  	s15 =	smov.u32 s6;
	s14 =	simm.s32 $0x80;
	[sflag:s11] =	ssyncset.done $0x0  }
.LBB2_6:
0x40: {  	p0 =	sne.s32 s14, $0x2700;
	[sflag:s11] =	ssyncadd.s32 $0xFFFFFC00;
	s15 =	sadd.s32 $0x400, s15  }
0x41: {  	[tilespmem:s10], [sflag:$0x1] =	stream.linear.gather [spmem:s15], $0x400, $0x38;
	[tilespmem:$0x18080] =	vst v63  }
0x42: {  	s16 =	smov.u32 s14;
	s14 =	sadd.s32 $0x80, s14;
	_ =	swait.ge [sflag:s11], $0x400  }
.Ltmp2:
0x43: {  	[sflag:s11] =	ssyncset.done $0x0;
	(pc) =	sbr.rel @p0 .LBB2_6-.Ltmp2, $4  }
0x44: {  	s16 =	sadd.s32 s16, s9;
	[sflag:s11] =	ssyncadd.s32 $0xFFFFFC00  }
0x45: {  	[hbm4b:s16+s2] =	stream.linear.scatter [tilespmem:s10], [sflag:$0x1], $0x400, $0x38;
	[tilespmem:$0x18080] =	vst v63  }
0x46: {  	_ =	swait.ge [sflag:s11], $0x400  }
0x47: {  	[sflag:s11] =	ssyncset.done $0x0  }
0x48: {  	s13 =	sadd.s32 $0x1, s13  }
0x49: {  	p0 =	sne.s32 s13, s7  }
.Ltmp3:
0x4a: {  	_ = 	snop;
	(pc) =	sbr.rel @p0 .LBB2_1-.Ltmp3, $2  }
0x4b: {  	_ =	sdelay $0x2  }
0x4c: {  	[sflag:s11] =	ssyncadd.s32 $0xFFFFFC00  }
0x4d: {  	_ =	sfence.sel $0x180000  }
0x4e: {  	[bflag:$0x0] =	sbarrier.arrive $0xFFFF  }
0x4f: {  	p0 =	sne.s32 s3, $0x0;
	_ =	strace $0x9000004A  }
0x50: {  	s0 =	sadd.s32 @!p0 $0x100000, s0;
	[bflag:$0x2] =	sbarrier.arrive $0xFFFF  }
0x51: {  	[sflag:s0] =	ssyncadd.tile.s32 @!p0 $0x1;
	_ =	shalt  }
.Lfunc_end2:
_tile_overlayer_lowered:
.L_overlay_start_2:
0x52: {  	(tag) =	ssettag $0x2  }
0x53: {  	s0 =	rddreg [dreg:$0x0];
	s2 =	stileid.u32  }
0x54: {  	s1 =	rddreg [dreg:$0x1];
	p0 =	sne.s32 s2, $0x0  }
0x55: {  	s3 =	rddreg [dreg:$0x2];
	[bflag:$0x3] =	sbarrier.arrive $0xFFFF;
	s2 =	simm.s32 @!p0 $0x1C01  }
0x56: {  	[timem:s3], [sflag:s2] =	dma.local @!p0 [hbm:s0], s1  }
0x57: {  	s0 =	simm.s32 @!p0 $0x1  }
0x58: {  	_ =	swait.ge @!p0 [sflag:s0], s1  }
0x59: {  	s1 =	ssub.s32 @!p0 $0x0, s1;
	[sflag:s0] =	ssyncset.done @!p0 $0x0  }
0x5a: {  	[sflag:s0] =	ssyncadd.s32 @!p0 s1  }
0x5b: {  	[bflag:$0x3] =	sbarrier.arrive $0xFFFF  }
0x5c: {  	_ =	shalt  }

// kernel: kernel.16.cloned.1.call-start
scs
__scs_entry_jumppad:
0x0: {  	(pc) =	sbr.rel $0x88, $3  }
0x1: {  	(tag) =	ssettag $0x0;
	lr =	simm.s32 $0x1  }
0x2: {  	[smem:$0x3F96] =	sst lr;
	_ =	strace $0xD0000000  }
0x3: {  	_ = 	snop  }
0x4: {  	_ = 	snop  }
0x5: {  	_ = 	snop  }
0x6: {  	_ = 	snop  }
0x7: {  	_ = 	snop  }
__scs_overlays_trampoline_lowered:
0x8: {  	[smem:$0x3FA5] =	sst s0  }
0x9: {  	[smem:$0x3FA6] =	sst s1  }
0xa: {  	[smem:$0x3FA7] =	sst s2  }
0xb: {  	[smem:$0x3FA8] =	sst s3  }
0xc: {  	[smem:$0x3FA9] =	sst s4  }
0xd: {  	[smem:$0x3FAA] =	sst s5  }
0xe: {  	[smem:$0x3FAB] =	sst s6  }
0xf: {  	[smem:$0x3FAC] =	sst s7  }
0x10: {  	[smem:$0x3FAD] =	sst s8  }
0x11: {  	[smem:$0x3FAE] =	sst s9;
	s0 =	simm.s32 @!p0 $0x0  }
0x12: {  	s1 =	sld [smem:$0x3F94];
	s0 =	simm.s32 @p0 $0x1  }
0x13: {  	[smem:$0x3FAF] =	sst s0;
	s0 =	simm.s32 @!p1 $0x0  }
0x14: {  	s2 =	sld [smem:$0x3F93];
	s0 =	simm.s32 @p1 $0x1  }
0x15: {  	[smem:$0x3FB0] =	sst s0;
	s0 =	simm.s32 @!p2 $0x0  }
0x16: {  	s3 =	sld [smem:$0x3FDB];
	s0 =	simm.s32 @p2 $0x1  }
0x17: {  	s4 =	simm.s32 $0x1BF5;
	[smem:$0x3FB2] =	sst s0  }
0x18: {  	s0 =	sld [smem:$0x3F95];
	_ =	swait.ge [sflag:s4], $0x0  }
0x19: {  	s7 =	sld [smem:$0x3F96]  }
0x1a: {  	s8 =	sadd.s32 $0xFFFFE003, lr  }
0x1b: {  	s9 =	sadd.s32 $0xFFFFFEF7, lr;
	s5 =	simm.s32 $0xFFFFFFFF;
	p2 =	slt.u32 s8, $0xFFFFF086  }
0x1c: {  	p1 =	slt.u32 s9, $0xF7A;
	s5 =	simm.s32 @!p2 $0x0  }
0x1d: {  	s5 =	simm.s32 @p1 $0x1;
	p0 =	seq.s32 s7, s2  }
0x1e: {  	s7 =	smul.u32 @!p0 $0xF7A, s2;
	p2 =	seq.s32 @!p0 s5, $0x0  }
0x1f: {  	s9 =	smul.u32 $0xF7A, s1;
	s8 =	simm.s32 @!p0 $0x1BF5;
	p2 =	por !p2, p0  }
0x20: {  	[sflag:s8] =	ssyncset.s32 @!p0 $0xFFFFF086;
	s6 =	sadd.s32 @!p0 s3, s7;
	s7 =	simm.s32 @!p0 $0x108  }
0x21: {  	s3 =	sadd.s32 s3, s9;
	s6 =	sadd.s32 @!p0 $0x88, s6;
	s7 =	simm.s32 @p2 $0x1082  }
0x22: {  	[simem:s7], [sflag:s8] =	dma.local @!p0 [hbm:s6], $0xF7A  }
0x23: {  	s9 =	sor.u32 $0xD0000000, s2;
	s6 =	simm.s32 $0x108;
	_ =	swait.ge @!p0 [sflag:s8], $0x0  }
0x24: {  	s3 =	sadd.s32 $0x88, s3;
	s6 =	simm.s32 @!p1 $0x1082;
	[sflag:s4] =	ssyncset.s32 $0xFFFFF086  }
0x25: {  	[simem:s6], [sflag:s4] =	dma.local [hbm:s3], $0xF7A  }
0x26: {  	[smem:$0x3F96] =	sst s1;
	(tag) =	ssettag s2;
	_ =	strace s9  }
0x27: {  	s1 =	sld [smem:$0x3FA6]  }
0x28: {  	s2 =	sld [smem:$0x3FA7]  }
0x29: {  	s4 =	sld [smem:$0x3FA9]  }
0x2a: {  	p0 =	seq.s32 s5, $0x0;
	s5 =	sld [smem:$0x3FAA]  }
0x2b: {  	s6 =	sld [smem:$0x3FAB]  }
0x2c: {  	s7 =	sld [smem:$0x3FAC]  }
0x2d: {  	s3 =	simm.s32 $0x108;
	s8 =	sld [smem:$0x3FAD]  }
0x2e: {  	s3 =	simm.s32 @!p0 $0x1082;
	s9 =	sld [smem:$0x3FAE]  }
0x2f: {  	lr =	sadd.s32 s0, s3;
	s0 =	sld [smem:$0x3FA5]  }
0x30: {  	s3 =	sld [smem:$0x3FA8]  }
0x31: {  	[smem:$0x3FB1] =	sst s10  }
0x32: {  	s10 =	sld [smem:$0x3FAF];
	_ =	sdelay $0x3  }
0x33: {  	p0 =	seq.s32 s10, $0x1;
	s10 =	sld [smem:$0x3FB1];
	_ =	sdelay $0x3  }
0x34: {  	[smem:$0x3FB1] =	sst s10  }
0x35: {  	s10 =	sld [smem:$0x3FB0];
	_ =	sdelay $0x3  }
0x36: {  	p1 =	seq.s32 s10, $0x1;
	s10 =	sld [smem:$0x3FB1];
	_ =	sdelay $0x3  }
0x37: {  	[smem:$0x3FB1] =	sst s10  }
0x38: {  	s10 =	sld [smem:$0x3FB2]  }
0x39: {  	_ = 	snop;
	(pc) =	sbr.ind lr, $3  }
0x3a: {  	_ = 	snop  }
0x3b: {  	_ = 	snop  }
0x3c: {  	p2 =	seq.s32 s10, $0x1;
	s10 =	sld [smem:$0x3FB1]  }
0x3d: {  	_ =	shalt  }
0x3e: {  	_ =	shalt  }
0x3f: {  	_ =	shalt  }
0x40: {  	_ =	shalt  }
0x41: {  	_ =	shalt  }
0x42: {  	_ =	shalt  }
0x43: {  	_ =	shalt  }
0x44: {  	_ =	shalt  }
0x45: {  	_ =	shalt  }
0x46: {  	_ =	shalt  }
0x47: {  	_ =	shalt  }
0x48: {  	_ =	shalt  }
0x49: {  	_ =	shalt  }
0x4a: {  	_ =	shalt  }
0x4b: {  	_ =	shalt  }
0x4c: {  	_ =	shalt  }
0x4d: {  	_ =	shalt  }
0x4e: {  	_ =	shalt  }
0x4f: {  	_ =	shalt  }
0x50: {  	_ =	shalt  }
0x51: {  	_ =	shalt  }
0x52: {  	_ =	shalt  }
0x53: {  	_ =	shalt  }
0x54: {  	_ =	shalt  }
0x55: {  	_ =	shalt  }
0x56: {  	_ =	shalt  }
0x57: {  	_ =	shalt  }
0x58: {  	_ =	shalt  }
0x59: {  	_ =	shalt  }
0x5a: {  	_ =	shalt  }
0x5b: {  	_ =	shalt  }
0x5c: {  	_ =	shalt  }
0x5d: {  	_ =	shalt  }
0x5e: {  	_ =	shalt  }
0x5f: {  	_ =	shalt  }
0x60: {  	_ =	shalt  }
0x61: {  	_ =	shalt  }
0x62: {  	_ =	shalt  }
0x63: {  	_ =	shalt  }
0x64: {  	_ =	shalt  }
0x65: {  	_ =	shalt  }
0x66: {  	_ =	shalt  }
0x67: {  	_ =	shalt  }
0x68: {  	_ =	shalt  }
0x69: {  	_ =	shalt  }
0x6a: {  	_ =	shalt  }
0x6b: {  	_ =	shalt  }
0x6c: {  	_ =	shalt  }
0x6d: {  	_ =	shalt  }
0x6e: {  	_ =	shalt  }
0x6f: {  	_ =	shalt  }
0x70: {  	_ =	shalt  }
0x71: {  	_ =	shalt  }
0x72: {  	_ =	shalt  }
0x73: {  	_ =	shalt  }
0x74: {  	_ =	shalt  }
0x75: {  	_ =	shalt  }
0x76: {  	_ =	shalt  }
0x77: {  	_ =	shalt  }
0x78: {  	_ =	shalt  }
0x79: {  	_ =	shalt  }
0x7a: {  	_ =	shalt  }
0x7b: {  	_ =	shalt  }
0x7c: {  	_ =	shalt  }
0x7d: {  	_ =	shalt  }
0x7e: {  	_ =	shalt  }
0x7f: {  	_ =	shalt  }
0x80: {  	_ =	shalt  }
0x81: {  	_ =	shalt  }
0x82: {  	_ =	shalt  }
0x83: {  	_ =	shalt  }
0x84: {  	_ =	shalt  }
0x85: {  	_ =	shalt  }
0x86: {  	_ =	shalt  }
0x87: {  	_ =	shalt  }
.Lfunc_end0:
.L_simem_size_0:
called_computation.2_lowered:
.L_overlay_start_0:
0x88: {  	s2 =	sld [smem:$0x3FD9]  }
0x89: {  	s3 =	sld [smem:$0x3FFE];
	_ =	sdelay $0x1  }
0x8a: {  	s1 =	srdreg.scid  }
0x8b: {  	s0 =	sand.u32 $0x1, s1  }
0x8c: {  	s17 =	sshll.u32 s0, $0xA;
	s2 =	sadd.s32 s3, s2  }
0x8d: {  	s2 =	sadd.s32 s2, s17  }
0x8e: {  	[smem:$0x3FBD] =	sst s2  }
0x8f: {  	_ = 	snop  }
0x90: {  	s2 =	sld [smem:$0x3FD0];
	(tm) =	ssettm $0x1  }
0x91: {  	s18 =	sld [smem:$0x3FFB];
	_ =	sdelay $0x3  }
0x92: {  	_ =	strace s18  }
0x93: {  	s3 =	sld [smem:$0x3FFC];
	_ =	sdelay $0x3  }
0x94: {  	_ =	strace s3  }
0x95: {  	s3 =	sld [smem:$0x3FFD];
	_ =	sdelay $0x3  }
0x96: {  	_ =	strace s3  }
0x97: {  	_ =	strace $0x8FFFFFFF  }
0x98: {  	s19 =	sld [smem:$0x3FDB];
	_ =	sdelay $0x1  }
0x99: {  	s4 =	simm.s32 $_scs_section_size  }
0x9a: {  	s5 =	simm.s32 $_size__tile_overlayer_lowered;
	s6 =	simm.s32 $_tile_overlayer_lowered  }
0x9b: {  	s22 =	simm.s32 $0x1BFF;
	s21 =	sshll.u32 s6, $0x1;
	s3 =	sadd.s32 s4, s19  }
0x9c: {  	s7 =	simm.s32 $0x0;
	s20 =	sshll.u32 s5, $0x1;
	s5 =	sadd.s32 s21, s3  }
0x9d: {  	[timem:s7], [sflag:s22] =	dma.local [hbm:s5], s20  }
0x9e: {  	_ =	swait.ge [sflag:s22], s20  }
0x9f: {  	s4 =	ssub.s32 $0x0, s20;
	[sflag:s22] =	ssyncset.done $0x0  }
0xa0: {  	[sflag:s22] =	ssyncadd.s32 s4;
	_ =	sdelay $0x1  }
0xa1: {  	s23 =	simm.s32 $0x1B8B  }
0xa2: {  	_ =	swait.ge [sflag:s23], $0x1  }
0xa3: {  	[sflag:s23] =	ssyncset.done $0x0  }
0xa4: {  	s25 =	simm.s32 $0x1B8E;
	s24 =	sld [smem:$0x3FFE];
	[sflag:s23] =	ssyncadd.s32 $0xFFFFFFFF  }
0xa5: {  	s26 =	simm.s32 $execute0_lowered;
	[smem:$0x3FD2] =	sst s25  }
0xa6: {  	s5 =	sshll.u32 s26, $0x1;
	_ =	strace $0x8000004C;
	[dreg:$0x1] =	wrdreg $0xFFFFFFFF  }
0xa7: {  	s28 =	simm.s32 $_size_execute0_lowered;
	s3 =	sadd.s32 s3, s5;
	[dreg:$0x0] =	wrdreg $0x0  }
0xa8: {  	s5 =	sshll.u32 s28, $0x1;
	[dreg:$0x2] =	wrdreg s3  }
0xa9: {  	[dreg:$0x3] =	wrdreg s5  }
0xaa: {  	[dreg:$0x4] =	wrdreg $0xC0  }
0xab: {  	_ =	task [dreg:s7], $0x5FFFF  }
0xac: {  	[dreg:$0x1] =	wrdreg $0xFFFFFFFF  }
0xad: {  	[dreg:$0x0] =	wrdreg $0x60  }
0xae: {  	[dreg:$0x2] =	wrdreg s24  }
0xaf: {  	[dreg:$0x3] =	wrdreg s2  }
0xb0: {  	[dreg:$0x4] =	wrdreg $0x65000  }
0xb1: {  	[dreg:$0x5] =	wrdreg $0x9  }
0xb2: {  	_ =	task.clear_ibuf [dreg:s7], $0x6FFFF;
	_ =	strace $0x9000004C  }
0xb3: {  	s29 =	simm.s32 $0x9;
	_ =	strace $0x8000004E  }
0xb4: {  	_ =	swait.ge [sflag:s29], $0x1  }
0xb5: {  	[sflag:s29] =	ssyncadd.s32 $0xFFFFFFFF  }
0xb6: {  	_ =	strace $0x9000004E  }
0xb7: {  	_ =	sfence  }
0xb8: {  	s30 =	sld [smem:$0x0];
	_ =	sdelay $0x2  }
0xb9: {  	s31 =	sshll.u32 s1, $0xD;
	s1 =	sshrl.u32 s1, $0x2  }
0xba: {  	s3 =	sand.u32 $0x4000, s31;
	s1 =	sadd.s32 s1, s30  }
0xbb: {  	s0 =	sor.u32 s3, s0;
	s1 =	sshll.u32 s1, $0x11  }
0xbc: {  	s0 =	sor.u32 s1, s0  }
0xbd: {  	s0 =	sadd.s32 $0x8F2B, s0  }
0xbe: {  	[sflag:s0] =	ssyncadd.remote.s32 $0x1  }
0xbf: {  	_ =	sfence.sel $0xFFFF  }
0xc0: {  	[dreg:$0x0] =	wrdreg $0xFFFFFFFF;
	(pc) =	sbr.abs _section_cstart, $3  }
0xc1: {  	[dreg:$0x1] =	wrdreg $0xFFFFFFFF  }
0xc2: {  	_ =	task.clear_ibuf [dreg:s7], $0x2FFFF;
	_ =	strace $0x9FFFFFFF  }
0xc3: {  	(tm) =	ssettm $0x7FFFFFFF  }
tec
execute0_lowered:
.L_overlay_start_1:
0x0: {  	(tag) =	ssettag $0x1  }
0x1: {  	s10 =	rddreg [dreg:$0x0]  }
0x2: {  	s1 =	rddreg [dreg:$0x1]  }
0x3: {  	s2 =	rddreg [dreg:$0x2]  }
0x4: {  	s0 =	rddreg [dreg:$0x3];
	s3 =	simm.s32 $0x0;
	s6 =	srdreg.scid  }
0x5: {  	s16 =	simm.s32 $0x6100;
	s17 =	simm.s32 $0x80;
	s18 =	simm.s32 $0x40  }
0x6: {  	s19 =	simm.s32 $0x100;
	s20 =	simm.s32 $0x1;
	s21 =	simm.s32 $0x2100  }
0x7: {  	s22 =	simm.s32 $0x0;
	[smem:$0x7FF] =	sst s3;
	s4 =	sadd.s32 $0x16200, s10  }
0x8: {  	s5 =	sadd.s32 $0x3DC00, s10;
	s7 =	sadd.s32 $0x2600, s10;
	s11 =	sand.u32 $0x1, s6  }
0x9: {  	s8 =	sadd.s32 $0xC400, s10;
	s6 =	stileid.u32;
	s12 =	smul.u32 $0x27800, s11  }
0xa: {  	s9 =	sadd.s32 $0x3DA00, s10;
	_ =	strace $0x8000004D;
	s14 =	smul.u32 $0x4F000, s6  }
0xb: {  	s13 =	ssub.s32 $0x2, s11;
	s15 =	smul.u32 $0x2780, s6;
	s29 =	sshll.u32 s11, $0x4  }
0xc: {  	s28 =	sshrl.u32 s13, $0x1;
	s31 =	sor.u32 s6, s29;
	s12 =	sadd.s32 s12, s10  }
0xd: {  	s13 =	ssub.s32 s13, s28;
	s30 =	sshrl.u32 s14, $0x2;
	s11 =	smul.u32 $0x2780, s31  }
0xe: {  	s14 =	simm.s32 $0x4100;
	s10 =	sadd.s32 s30, s2;
	s15 =	sadd.s32 s15, s12  }
0xf: {  	s12 =	smax.u32 s13, $0x1;
	s13 =	sadd.s32 $0x65400, s15;
	s15 =	simm.s32 $0x2  }
.LBB2_1:
0x10: {  	[tilespmem:s14], [sflag:$0x2] =	stream.linear.gather [hbm4b:s1+s3], $0x2000, $0x38;
	[tilespmem:$0x1A100] =	vst v63  }
0x11: {  	_ =	swait.ge [sflag:s15], $0x2000  }
0x12: {  	[sflag:s15] =	ssyncset.done $0x0  }
0x13: {  	[sflag:s15] =	ssyncadd.s32 $0xFFFFE000  }
0x14: {  	[tilespmem:s16], [sflag:$0x2] =	stream.linear.gather [hbm4b:s9+s3], $0x400, $0x38;
	[tilespmem:$0x1A100] =	vst v63  }
0x15: {  	_ =	swait.ge [sflag:s15], $0x400  }
0x16: {  	[sflag:s15] =	ssyncset.done $0x0  }
0x17: {  	s23 =	sadd.s32 $0x0, s10;
	[sflag:s15] =	ssyncadd.s32 $0xFFFFFC00  }
0x18: {  	[spmem:s23] =	stream.linear.scatter [tilespmem:s16], [sflag:$0x2], $0x400, $0x38;
	[tilespmem:$0x1A100] =	vst v63  }
0x19: {  	s23 =	simm.s32 $0x1000;
	_ =	swait.ge [sflag:s15], $0x400  }
.LBB2_2:
0x1a: {  	s24 =	sshra.s32 s23, $0x2;
	[sflag:s15] =	ssyncset.done $0x0;
	p0 =	sne.s32 s23, $0x4E000  }
.Ltmp0:
0x1b: {  	s24 =	sadd.s32 s24, s10;
	[sflag:s15] =	ssyncadd.s32 $0xFFFFFC00;
	(pc) =	sbr.rel @p0 .LBB2_2-.Ltmp0, $3  }
0x1c: {  	[spmem:s24] =	stream.linear.scatter [tilespmem:s16], [sflag:$0x2], $0x400, $0x38;
	[tilespmem:$0x1A100] =	vst v63  }
0x1d: {  	s23 =	sadd.s32 $0x1000, s23;
	_ =	sdelay $0x1  }
0x1e: {  	_ =	swait.ge [sflag:s15], $0x400  }
0x1f: {  	[sflag:s15] =	ssyncset.done $0x0  }
0x20: {  	[sflag:s15] =	ssyncadd.s32 $0xFFFFFC00  }
0x21: {  	s23 =	simm.s32 $0x0;
	s24 =	simm.s32 $0x0;
	[bflag:$0x0] =	sbarrier.arrive $0xFFFF  }
.LBB2_4:
0x22: {  	s25 =	sshll.u32 s24, $0x6  }
0x23: {  	s25 =	sadd.s32 s11, s25  }
0x24: {  	s25 =	sshrl.u32 s25, $0x3  }
0x25: {  	s26 =	sadd.s32 s7, s25  }
0x26: {  	[tilespmem:s23], [sflag:$0x2] =	stream.linear.gather [hbm4b:s26+s23], $0x40, $0x38;
	[tilespmem:$0x1A100] =	vst v63  }
0x27: {  	_ =	swait.ge [sflag:s15], $0x40  }
0x28: {  	[sflag:s15] =	ssyncset.done $0x0  }
0x29: {  	s25 =	sadd.s32 s8, s25;
	[sflag:s15] =	ssyncadd.s32 $0xFFFFFFC0  }
0x2a: {  	[tilespmem:s17], [sflag:$0x2] =	stream.linear.gather [hbm4b:s25+s23], $0x40, $0x38;
	[tilespmem:$0x1A100] =	vst v63  }
0x2b: {  	_ =	swait.ge [sflag:s15], $0x40  }
0x2c: {  	[sflag:s15] =	ssyncset.done $0x0  }
0x2d: {  	[sflag:s15] =	ssyncadd.s32 $0xFFFFFFC0  }
0x2e: {  	[tilespmem:s19], [sflag:$0x1] =	stream.indirect.gather [hbm4b:s4+s18], $0x80, s23, s18, $0xb8;
	[tilespmem:$0x1A100] =	vst v63  }
0x2f: {  	_ =	swait.ge [sflag:s20], $0x2000  }
0x30: {  	[sflag:s20] =	ssyncset.done $0x0  }
0x31: {  	[sflag:s20] =	ssyncadd.s32 $0xFFFFE000  }
0x32: {  	[tilespmem:s21], [sflag:$0x1] =	stream.indirect.gather [hbm4b:s5+s18], $0x80, s17, s18, $0xb8;
	[tilespmem:$0x1A100] =	vst v63  }
0x33: {  	_ =	swait.ge [sflag:s20], $0x2000  }
0x34: {  	[sflag:s20] =	ssyncset.done $0x0  }
0x35: {  	s25 =	simm.s32 $0x0;
	[sflag:s20] =	ssyncadd.s32 $0xFFFFE000  }
0x36: {  	v0 =	vld [tilespmem:s25+$0x100]  }
0x37: {  	v1 =	vld [tilespmem:s25+$0x2100];
	_ =	sdelay $0x4  }
0x38: {  	v0 =	vadd.f32 v1, v0;
	_ =	sdelay $0x1  }
0x39: {  	s26 =	simm.s32 $0x80;
	v1 =	vmul.f32 $2.000000030e-01, v0  }
0x3a: {  	v2 =	vld [tilespmem:s26+$0x100]  }
0x3b: {  	v3 =	vld [tilespmem:s26+$0x2100];
	v0 =	vmax.f32 v0, v1  }
0x3c: {  	s29 =	simm.s32 $0x100;
	v0 =	vmul.f32 $1.442695020e+00, v0  }
0x3d: {  	v1 =	vld [tilespmem:s29+$0x100]  }
0x3e: {  	(erf) = vpow2.f32 v0;
	v0 =	vld [tilespmem:s29+$0x2100];
	_ =	sdelay $0x1  }
0x3f: {  	v2 =	vadd.f32 v3, v2;
	_ =	sdelay $0x1  }
0x40: {  	v3 =	vmul.f32 $2.000000030e-01, v2  }
0x41: {  	v4 =	vadd.f32 v0, v1  }
0x42: {  	v0 =	vmax.f32 v2, v3  }
0x43: {  	s28 =	simm.s32 $0x180;
	v1 =	vmul.f32 $1.442695020e+00, v0;
	v2 =	vmul.f32 $2.000000030e-01, v4  }
0x44: {  	v0 =	vld [tilespmem:s28+$0x100]  }
0x45: {  	(erf) = vpow2.f32 v1;
	v1 =	vld [tilespmem:s28+$0x2100];
	_ =	sdelay $0x1  }
0x46: {  	s30 =	simm.s32 $0x800;
	v3 =	vmax.f32 v4, v2;
	v2 =	vpop (erf)  }
.LBB2_5:
0x47: {  	s31 =	sshra.s32 s30, $0x2  }
0x48: {  	v3 =	vmul.f32 $1.442695020e+00, v3;
	[tilespmem:s25+$0x4100] =	vst v2;
	s25 =	smov.u32 s26;
	s26 =	smov.u32 s29;
	p0 =	sne.s32 s30, $0x7E00  }
.Ltmp1:
0x49: {  	s30 =	sadd.s32 $0x200, s30;
	v2 =	vadd.f32 v1, v0;
	v0 =	vld [tilespmem:s31+$0x100];
	(pc) =	sbr.rel @p0 .LBB2_5-.Ltmp1, $3  }
0x4a: {  	s29 =	smov.u32 s28;
	s28 =	smov.u32 s31;
	v1 =	vld [tilespmem:s31+$0x2100];
	(erf) = vpow2.f32 v3  }
0x4b: {  	v3 =	vmul.f32 $2.000000030e-01, v2;
	_ =	sdelay $0x1  }
0x4c: {  	v3 =	vmax.f32 v2, v3;
	v2 =	vpop (erf)  }
0x4d: {  	_ = 	snop  }
0x4e: {  	v0 =	vadd.f32 v1, v0;
	_ =	sdelay $0x1  }
0x4f: {  	v1 =	vmul.f32 $2.000000030e-01, v0;
	_ =	sdelay $0x1  }
0x50: {  	v3 =	vmul.f32 $1.442695020e+00, v3;
	v0 =	vmax.f32 v0, v1  }
0x51: {  	v0 =	vmul.f32 $1.442695020e+00, v0  }
0x52: {  	(erf) = vpow2.f32 v3  }
0x53: {  	(erf) = vpow2.f32 v0;
	_ =	sdelay $0x6  }
0x54: {  	[tilespmem:s25+$0x4100] =	vst v2;
	v61 =	vpop (erf)  }
0x55: {  	s24 =	sadd.s32 $0x1, s24;
	[tilespmem:s26+$0x4100] =	vst v61;
	v62 =	vpop (erf)  }
0x56: {  	p0 =	sne.s32 s24, $0x9E;
	[tilespmem:s29+$0x4100] =	vst v62;
	v63 =	vpop (erf)  }
.Ltmp2:
0x57: {  	[tilespmem:s28+$0x4100] =	vst v63;
	(pc) =	sbr.rel @p0 .LBB2_4-.Ltmp2, $4  }
0x58: {  	[spmem:s2] =	stream.indirect.scatter.add.f32 [tilespmem:s14], [sflag:$0x2], $0x80, s17, s18, $0xb8;
	[tilespmem:$0x1A100] =	vst v63  }
0x59: {  	_ =	swait.ge [sflag:s15], $0x2000  }
0x5a: {  	[sflag:s15] =	ssyncset.done $0x0  }
0x5b: {  	[sflag:s15] =	ssyncadd.s32 $0xFFFFE000  }
0x5c: {  	[bflag:$0x0] =	sbarrier.arrive $0xFFFF  }
0x5d: {  	[tilespmem:s16], [sflag:$0x2] =	stream.linear.gather [spmem:s10], $0x400, $0x38;
	[tilespmem:$0x1A100] =	vst v63  }
0x5e: {  	_ =	swait.ge [sflag:s15], $0x400  }
0x5f: {  	[sflag:s15] =	ssyncset.done $0x0  }
0x60: {  	s23 =	sadd.s32 $0x0, s13;
	[sflag:s15] =	ssyncadd.s32 $0xFFFFFC00  }
0x61: {  	[hbm4b:s23+s3] =	stream.linear.scatter [tilespmem:s16], [sflag:$0x2], $0x400, $0x38;
	[tilespmem:$0x1A100] =	vst v63  }
0x62: {  	_ =	swait.ge [sflag:s15], $0x400  }
0x63: {  	s24 =	smov.u32 s10;
	s23 =	simm.s32 $0x80;
	[sflag:s15] =	ssyncset.done $0x0  }
.LBB2_8:
0x64: {  	p0 =	sne.s32 s23, $0x2700;
	[sflag:s15] =	ssyncadd.s32 $0xFFFFFC00;
	s24 =	sadd.s32 $0x400, s24  }
0x65: {  	[tilespmem:s16], [sflag:$0x2] =	stream.linear.gather [spmem:s24], $0x400, $0x38;
	[tilespmem:$0x1A100] =	vst v63  }
0x66: {  	s25 =	smov.u32 s23;
	s23 =	sadd.s32 $0x80, s23;
	_ =	swait.ge [sflag:s15], $0x400  }
.Ltmp3:
0x67: {  	[sflag:s15] =	ssyncset.done $0x0;
	(pc) =	sbr.rel @p0 .LBB2_8-.Ltmp3, $4  }
0x68: {  	s25 =	sadd.s32 s25, s13;
	[sflag:s15] =	ssyncadd.s32 $0xFFFFFC00  }
0x69: {  	[hbm4b:s25+s3] =	stream.linear.scatter [tilespmem:s16], [sflag:$0x2], $0x400, $0x38;
	[tilespmem:$0x1A100] =	vst v63  }
0x6a: {  	_ =	swait.ge [sflag:s15], $0x400  }
0x6b: {  	[sflag:s15] =	ssyncset.done $0x0  }
0x6c: {  	s22 =	sadd.s32 $0x1, s22  }
0x6d: {  	p0 =	sne.s32 s22, s12  }
.Ltmp4:
0x6e: {  	_ = 	snop;
	(pc) =	sbr.rel @p0 .LBB2_1-.Ltmp4, $2  }
0x6f: {  	_ =	sdelay $0x2  }
0x70: {  	[sflag:s15] =	ssyncadd.s32 $0xFFFFFC00  }
0x71: {  	_ =	sfence.sel $0x180000  }
0x72: {  	[bflag:$0x0] =	sbarrier.arrive $0xFFFF  }
0x73: {  	p0 =	sne.s32 s6, $0x0;
	_ =	strace $0x9000004D  }
0x74: {  	s0 =	sadd.s32 @!p0 $0x100000, s0;
	[bflag:$0x2] =	sbarrier.arrive $0xFFFF  }
0x75: {  	[sflag:s0] =	ssyncadd.tile.s32 @!p0 $0x1;
	_ =	shalt  }
.Lfunc_end2:
_tile_overlayer_lowered:
.L_overlay_start_2:
0x76: {  	(tag) =	ssettag $0x2  }
0x77: {  	s0 =	rddreg [dreg:$0x0];
	s2 =	stileid.u32  }
0x78: {  	s1 =	rddreg [dreg:$0x1];
	p0 =	sne.s32 s2, $0x0  }
0x79: {  	s3 =	rddreg [dreg:$0x2];
	[bflag:$0x3] =	sbarrier.arrive $0xFFFF;
	s2 =	simm.s32 @!p0 $0x1C02  }
0x7a: {  	[timem:s3], [sflag:s2] =	dma.local @!p0 [hbm:s0], s1  }
0x7b: {  	s0 =	simm.s32 @!p0 $0x2  }
0x7c: {  	_ =	swait.ge @!p0 [sflag:s0], s1  }
0x7d: {  	s1 =	ssub.s32 @!p0 $0x0, s1;
	[sflag:s0] =	ssyncset.done @!p0 $0x0  }
0x7e: {  	[sflag:s0] =	ssyncadd.s32 @!p0 s1  }
0x7f: {  	[bflag:$0x3] =	sbarrier.arrive $0xFFFF  }
0x80: {  	_ =	shalt  }

// kernel: kernel.19.cloned.1.call-start
scs
__scs_entry_jumppad:
0x0: {  	(pc) =	sbr.rel $0x88, $3  }
0x1: {  	(tag) =	ssettag $0x0;
	lr =	simm.s32 $0x1  }
0x2: {  	[smem:$0x3F96] =	sst lr;
	_ =	strace $0xD0000000  }
0x3: {  	_ = 	snop  }
0x4: {  	_ = 	snop  }
0x5: {  	_ = 	snop  }
0x6: {  	_ = 	snop  }
0x7: {  	_ = 	snop  }
__scs_overlays_trampoline_lowered:
0x8: {  	[smem:$0x3FA5] =	sst s0  }
0x9: {  	[smem:$0x3FA6] =	sst s1  }
0xa: {  	[smem:$0x3FA7] =	sst s2  }
0xb: {  	[smem:$0x3FA8] =	sst s3  }
0xc: {  	[smem:$0x3FA9] =	sst s4  }
0xd: {  	[smem:$0x3FAA] =	sst s5  }
0xe: {  	[smem:$0x3FAB] =	sst s6  }
0xf: {  	[smem:$0x3FAC] =	sst s7  }
0x10: {  	[smem:$0x3FAD] =	sst s8  }
0x11: {  	[smem:$0x3FAE] =	sst s9;
	s0 =	simm.s32 @!p0 $0x0  }
0x12: {  	s1 =	sld [smem:$0x3F94];
	s0 =	simm.s32 @p0 $0x1  }
0x13: {  	[smem:$0x3FAF] =	sst s0;
	s0 =	simm.s32 @!p1 $0x0  }
0x14: {  	s2 =	sld [smem:$0x3F93];
	s0 =	simm.s32 @p1 $0x1  }
0x15: {  	[smem:$0x3FB0] =	sst s0;
	s0 =	simm.s32 @!p2 $0x0  }
0x16: {  	s3 =	sld [smem:$0x3FDB];
	s0 =	simm.s32 @p2 $0x1  }
0x17: {  	s4 =	simm.s32 $0x1BF5;
	[smem:$0x3FB2] =	sst s0  }
0x18: {  	s0 =	sld [smem:$0x3F95];
	_ =	swait.ge [sflag:s4], $0x0  }
0x19: {  	s7 =	sld [smem:$0x3F96]  }
0x1a: {  	s8 =	sadd.s32 $0xFFFFE003, lr  }
0x1b: {  	s9 =	sadd.s32 $0xFFFFFEF7, lr;
	s5 =	simm.s32 $0xFFFFFFFF;
	p2 =	slt.u32 s8, $0xFFFFF086  }
0x1c: {  	p1 =	slt.u32 s9, $0xF7A;
	s5 =	simm.s32 @!p2 $0x0  }
0x1d: {  	s5 =	simm.s32 @p1 $0x1;
	p0 =	seq.s32 s7, s2  }
0x1e: {  	s7 =	smul.u32 @!p0 $0xF7A, s2;
	p2 =	seq.s32 @!p0 s5, $0x0  }
0x1f: {  	s9 =	smul.u32 $0xF7A, s1;
	s8 =	simm.s32 @!p0 $0x1BF5;
	p2 =	por !p2, p0  }
0x20: {  	[sflag:s8] =	ssyncset.s32 @!p0 $0xFFFFF086;
	s6 =	sadd.s32 @!p0 s3, s7;
	s7 =	simm.s32 @!p0 $0x108  }
0x21: {  	s3 =	sadd.s32 s3, s9;
	s6 =	sadd.s32 @!p0 $0x88, s6;
	s7 =	simm.s32 @p2 $0x1082  }
0x22: {  	[simem:s7], [sflag:s8] =	dma.local @!p0 [hbm:s6], $0xF7A  }
0x23: {  	s9 =	sor.u32 $0xD0000000, s2;
	s6 =	simm.s32 $0x108;
	_ =	swait.ge @!p0 [sflag:s8], $0x0  }
0x24: {  	s3 =	sadd.s32 $0x88, s3;
	s6 =	simm.s32 @!p1 $0x1082;
	[sflag:s4] =	ssyncset.s32 $0xFFFFF086  }
0x25: {  	[simem:s6], [sflag:s4] =	dma.local [hbm:s3], $0xF7A  }
0x26: {  	[smem:$0x3F96] =	sst s1;
	(tag) =	ssettag s2;
	_ =	strace s9  }
0x27: {  	s1 =	sld [smem:$0x3FA6]  }
0x28: {  	s2 =	sld [smem:$0x3FA7]  }
0x29: {  	s4 =	sld [smem:$0x3FA9]  }
0x2a: {  	p0 =	seq.s32 s5, $0x0;
	s5 =	sld [smem:$0x3FAA]  }
0x2b: {  	s6 =	sld [smem:$0x3FAB]  }
0x2c: {  	s7 =	sld [smem:$0x3FAC]  }
0x2d: {  	s3 =	simm.s32 $0x108;
	s8 =	sld [smem:$0x3FAD]  }
0x2e: {  	s3 =	simm.s32 @!p0 $0x1082;
	s9 =	sld [smem:$0x3FAE]  }
0x2f: {  	lr =	sadd.s32 s0, s3;
	s0 =	sld [smem:$0x3FA5]  }
0x30: {  	s3 =	sld [smem:$0x3FA8]  }
0x31: {  	[smem:$0x3FB1] =	sst s10  }
0x32: {  	s10 =	sld [smem:$0x3FAF];
	_ =	sdelay $0x3  }
0x33: {  	p0 =	seq.s32 s10, $0x1;
	s10 =	sld [smem:$0x3FB1];
	_ =	sdelay $0x3  }
0x34: {  	[smem:$0x3FB1] =	sst s10  }
0x35: {  	s10 =	sld [smem:$0x3FB0];
	_ =	sdelay $0x3  }
0x36: {  	p1 =	seq.s32 s10, $0x1;
	s10 =	sld [smem:$0x3FB1];
	_ =	sdelay $0x3  }
0x37: {  	[smem:$0x3FB1] =	sst s10  }
0x38: {  	s10 =	sld [smem:$0x3FB2]  }
0x39: {  	_ = 	snop;
	(pc) =	sbr.ind lr, $3  }
0x3a: {  	_ = 	snop  }
0x3b: {  	_ = 	snop  }
0x3c: {  	p2 =	seq.s32 s10, $0x1;
	s10 =	sld [smem:$0x3FB1]  }
0x3d: {  	_ =	shalt  }
0x3e: {  	_ =	shalt  }
0x3f: {  	_ =	shalt  }
0x40: {  	_ =	shalt  }
0x41: {  	_ =	shalt  }
0x42: {  	_ =	shalt  }
0x43: {  	_ =	shalt  }
0x44: {  	_ =	shalt  }
0x45: {  	_ =	shalt  }
0x46: {  	_ =	shalt  }
0x47: {  	_ =	shalt  }
0x48: {  	_ =	shalt  }
0x49: {  	_ =	shalt  }
0x4a: {  	_ =	shalt  }
0x4b: {  	_ =	shalt  }
0x4c: {  	_ =	shalt  }
0x4d: {  	_ =	shalt  }
0x4e: {  	_ =	shalt  }
0x4f: {  	_ =	shalt  }
0x50: {  	_ =	shalt  }
0x51: {  	_ =	shalt  }
0x52: {  	_ =	shalt  }
0x53: {  	_ =	shalt  }
0x54: {  	_ =	shalt  }
0x55: {  	_ =	shalt  }
0x56: {  	_ =	shalt  }
0x57: {  	_ =	shalt  }
0x58: {  	_ =	shalt  }
0x59: {  	_ =	shalt  }
0x5a: {  	_ =	shalt  }
0x5b: {  	_ =	shalt  }
0x5c: {  	_ =	shalt  }
0x5d: {  	_ =	shalt  }
0x5e: {  	_ =	shalt  }
0x5f: {  	_ =	shalt  }
0x60: {  	_ =	shalt  }
0x61: {  	_ =	shalt  }
0x62: {  	_ =	shalt  }
0x63: {  	_ =	shalt  }
0x64: {  	_ =	shalt  }
0x65: {  	_ =	shalt  }
0x66: {  	_ =	shalt  }
0x67: {  	_ =	shalt  }
0x68: {  	_ =	shalt  }
0x69: {  	_ =	shalt  }
0x6a: {  	_ =	shalt  }
0x6b: {  	_ =	shalt  }
0x6c: {  	_ =	shalt  }
0x6d: {  	_ =	shalt  }
0x6e: {  	_ =	shalt  }
0x6f: {  	_ =	shalt  }
0x70: {  	_ =	shalt  }
0x71: {  	_ =	shalt  }
0x72: {  	_ =	shalt  }
0x73: {  	_ =	shalt  }
0x74: {  	_ =	shalt  }
0x75: {  	_ =	shalt  }
0x76: {  	_ =	shalt  }
0x77: {  	_ =	shalt  }
0x78: {  	_ =	shalt  }
0x79: {  	_ =	shalt  }
0x7a: {  	_ =	shalt  }
0x7b: {  	_ =	shalt  }
0x7c: {  	_ =	shalt  }
0x7d: {  	_ =	shalt  }
0x7e: {  	_ =	shalt  }
0x7f: {  	_ =	shalt  }
0x80: {  	_ =	shalt  }
0x81: {  	_ =	shalt  }
0x82: {  	_ =	shalt  }
0x83: {  	_ =	shalt  }
0x84: {  	_ =	shalt  }
0x85: {  	_ =	shalt  }
0x86: {  	_ =	shalt  }
0x87: {  	_ =	shalt  }
.Lfunc_end0:
.L_simem_size_0:
called_computation.3_lowered:
.L_overlay_start_0:
0x88: {  	s2 =	sld [smem:$0x3FD9]  }
0x89: {  	s3 =	sld [smem:$0x3FFE];
	_ =	sdelay $0x1  }
0x8a: {  	s1 =	srdreg.scid  }
0x8b: {  	s0 =	sand.u32 $0x1, s1  }
0x8c: {  	s16 =	sshll.u32 s0, $0xA;
	s2 =	sadd.s32 s3, s2  }
0x8d: {  	s2 =	sadd.s32 s2, s16  }
0x8e: {  	[smem:$0x3FBD] =	sst s2  }
0x8f: {  	_ = 	snop  }
0x90: {  	(tm) =	ssettm $0x1  }
0x91: {  	s17 =	sld [smem:$0x3FFB];
	_ =	sdelay $0x3  }
0x92: {  	_ =	strace s17  }
0x93: {  	s2 =	sld [smem:$0x3FFC];
	_ =	sdelay $0x3  }
0x94: {  	_ =	strace s2  }
0x95: {  	s2 =	sld [smem:$0x3FFD];
	_ =	sdelay $0x3  }
0x96: {  	_ =	strace s2  }
0x97: {  	_ =	strace $0x8FFFFFFF  }
0x98: {  	s18 =	sld [smem:$0x3FDB];
	_ =	sdelay $0x1  }
0x99: {  	s19 =	simm.s32 $_scs_section_size  }
0x9a: {  	s4 =	simm.s32 $_size__tile_overlayer_lowered;
	s5 =	simm.s32 $_tile_overlayer_lowered  }
0x9b: {  	s22 =	simm.s32 $0x1BFF;
	s21 =	sshll.u32 s5, $0x1;
	s2 =	sadd.s32 s19, s18  }
0x9c: {  	s6 =	simm.s32 $0x0;
	s20 =	sshll.u32 s4, $0x1;
	s4 =	sadd.s32 s21, s2  }
0x9d: {  	[timem:s6], [sflag:s22] =	dma.local [hbm:s4], s20  }
0x9e: {  	_ =	swait.ge [sflag:s22], s20  }
0x9f: {  	s3 =	ssub.s32 $0x0, s20;
	[sflag:s22] =	ssyncset.done $0x0  }
0xa0: {  	[sflag:s22] =	ssyncadd.s32 s3;
	_ =	sdelay $0x1  }
0xa1: {  	s23 =	simm.s32 $0x1B8B  }
0xa2: {  	_ =	swait.ge [sflag:s23], $0x1  }
0xa3: {  	[sflag:s23] =	ssyncset.done $0x0  }
0xa4: {  	s25 =	simm.s32 $0x1B8E;
	s24 =	sld [smem:$0x3FFE];
	[sflag:s23] =	ssyncadd.s32 $0xFFFFFFFF  }
0xa5: {  	s26 =	simm.s32 $execute0_lowered;
	[smem:$0x3FD2] =	sst s25  }
0xa6: {  	s4 =	sshll.u32 s26, $0x1;
	_ =	strace $0x8000004F;
	[dreg:$0x1] =	wrdreg $0xFFFFFFFF  }
0xa7: {  	s28 =	simm.s32 $_size_execute0_lowered;
	s2 =	sadd.s32 s2, s4;
	[dreg:$0x0] =	wrdreg $0x0  }
0xa8: {  	s4 =	sshll.u32 s28, $0x1;
	[dreg:$0x2] =	wrdreg s2  }
0xa9: {  	[dreg:$0x3] =	wrdreg s4  }
0xaa: {  	[dreg:$0x4] =	wrdreg $0xC0  }
0xab: {  	_ =	task [dreg:s6], $0x5FFFF  }
0xac: {  	[dreg:$0x1] =	wrdreg $0xFFFFFFFF  }
0xad: {  	[dreg:$0x0] =	wrdreg $0x60  }
0xae: {  	[dreg:$0x2] =	wrdreg s24  }
0xaf: {  	[dreg:$0x3] =	wrdreg $0x85000  }
0xb0: {  	[dreg:$0x4] =	wrdreg $0x9  }
0xb1: {  	_ =	task.clear_ibuf [dreg:s6], $0x5FFFF;
	_ =	strace $0x9000004F  }
0xb2: {  	s29 =	simm.s32 $0x9;
	_ =	strace $0x80000051  }
0xb3: {  	_ =	swait.ge [sflag:s29], $0x1  }
0xb4: {  	[sflag:s29] =	ssyncadd.s32 $0xFFFFFFFF  }
0xb5: {  	_ =	strace $0x90000051  }
0xb6: {  	_ =	sfence  }
0xb7: {  	s30 =	sld [smem:$0x0];
	_ =	sdelay $0x2  }
0xb8: {  	s31 =	sshll.u32 s1, $0xD;
	s1 =	sshrl.u32 s1, $0x2  }
0xb9: {  	s3 =	sand.u32 $0x4000, s31;
	s1 =	sadd.s32 s1, s30  }
0xba: {  	s0 =	sor.u32 s3, s0;
	s1 =	sshll.u32 s1, $0x11  }
0xbb: {  	s0 =	sor.u32 s1, s0  }
0xbc: {  	s0 =	sadd.s32 $0x8F2B, s0  }
0xbd: {  	[sflag:s0] =	ssyncadd.remote.s32 $0x1  }
0xbe: {  	_ =	sfence.sel $0xFFFF  }
0xbf: {  	[dreg:$0x0] =	wrdreg $0xFFFFFFFF;
	(pc) =	sbr.abs _section_cstart, $3  }
0xc0: {  	[dreg:$0x1] =	wrdreg $0xFFFFFFFF  }
0xc1: {  	_ =	task.clear_ibuf [dreg:s6], $0x2FFFF;
	_ =	strace $0x9FFFFFFF  }
0xc2: {  	(tm) =	ssettm $0x7FFFFFFF  }
0xc3: {  	_ =	shalt  }
tec
execute0_lowered:
.L_overlay_start_1:
0x0: {  	(tag) =	ssettag $0x1  }
0x1: {  	s0 =	rddreg [dreg:$0x0]  }
0x2: {  	s1 =	rddreg [dreg:$0x1];
	s2 =	simm.s32 $0x0;
	s5 =	srdreg.scid  }
0x3: {  	s12 =	stileid.u32;
	s13 =	simm.s32 $0x8100;
	s14 =	simm.s32 $0x2  }
0x4: {  	s15 =	simm.s32 $0x80;
	s16 =	simm.s32 $0x100;
	s17 =	simm.s32 $0x900  }
0x5: {  	s18 =	simm.s32 $0x1100;
	s19 =	simm.s32 $0x1900;
	s20 =	simm.s32 $0x2100  }
0x6: {  	s21 =	simm.s32 $0x2900;
	s22 =	simm.s32 $0x3100;
	s23 =	simm.s32 $0x3900  }
0x7: {  	s24 =	simm.s32 $0x1;
	s25 =	simm.s32 $0x40;
	s29 =	simm.s32 $0x0  }
0x8: {  	[smem:$0x7FF] =	sst s2;
	s3 =	sadd.s32 $0xB4400, s0;
	s4 =	sadd.s32 $0x16200, s0  }
0x9: {  	s6 =	sadd.s32 $0x2600, s0;
	s5 =	sand.u32 $0x1, s5;
	s10 =	smul.u32 $0x4F000, s12  }
0xa: {  	s7 =	sadd.s32 $0xC400, s0;
	s9 =	sadd.s32 $0x3DA00, s0;
	s11 =	smul.u32 $0x2780, s12  }
0xb: {  	_ =	strace $0x80000050;
	s8 =	smul.u32 $0x27800, s5;
	s26 =	ssub.s32 $0x2, s5  }
0xc: {  	[dreg:$0x3] =	wrdreg s9;
	s5 =	sshll.u32 s5, $0x4;
	s28 =	sshrl.u32 s26, $0x1  }
0xd: {  	s30 =	sshrl.u32 s10, $0x2;
	s5 =	sor.u32 s12, s5;
	s0 =	sadd.s32 s8, s0  }
0xe: {  	v2 =	vlaneseq.u32;
	s8 =	ssub.s32 s26, s28;
	s9 =	sadd.s32 s30, s1;
	s10 =	smul.u32 $0x2780, s5  }
0xf: {  	vm0 =	vmmov $0xffff;
	v1 =	vshrl.u32 v2, $0x3;
	s26 =	simm.s32 $0x6100;
	s0 =	sadd.s32 s11, s0;
	s31 =	smax.u32 s8, $0x1  }
0x10: {  	v0 =	vand.u32 $0x7, v2;
	v2 =	vor.u32 $0x8, v2;
	v1 =	vmul.u32 $0x8, v1;
	s1 =	simm.s32 $0x0;
	[dreg:$0x4] =	wrdreg s31;
	s12 =	sadd.s32 $0x3DC00, s0  }
.LBB2_1:
0x11: {  	[dreg:$0x5] =	wrdreg s1  }
0x12: {  	s0 =	rddreg [dreg:$0x3]  }
0x13: {  	[tilespmem:s13], [sflag:$0x2] =	stream.linear.gather [hbm4b:s0+s2], $0x400, $0x38;
	[tilespmem:$0x1C100] =	vst v63  }
0x14: {  	_ =	swait.ge [sflag:s14], $0x400  }
0x15: {  	[sflag:s14] =	ssyncset.done $0x0  }
0x16: {  	s31 =	sadd.s32 $0x0, s9;
	[sflag:s14] =	ssyncadd.s32 $0xFFFFFC00  }
0x17: {  	[spmem:s31] =	stream.linear.scatter [tilespmem:s13], [sflag:$0x2], $0x400, $0x38;
	[tilespmem:$0x1C100] =	vst v63  }
0x18: {  	s0 =	simm.s32 $0x1000;
	_ =	swait.ge [sflag:s14], $0x400  }
.LBB2_2:
0x19: {  	s5 =	sshra.s32 s0, $0x2;
	[sflag:s14] =	ssyncset.done $0x0;
	p0 =	sne.s32 s0, $0x4E000  }
.Ltmp0:
0x1a: {  	s5 =	sadd.s32 s5, s9;
	[sflag:s14] =	ssyncadd.s32 $0xFFFFFC00;
	(pc) =	sbr.rel @p0 .LBB2_2-.Ltmp0, $3  }
0x1b: {  	[spmem:s5] =	stream.linear.scatter [tilespmem:s13], [sflag:$0x2], $0x400, $0x38;
	[tilespmem:$0x1C100] =	vst v63  }
0x1c: {  	s0 =	sadd.s32 $0x1000, s0;
	_ =	sdelay $0x1  }
0x1d: {  	_ =	swait.ge [sflag:s14], $0x400  }
0x1e: {  	[sflag:s14] =	ssyncset.done $0x0  }
0x1f: {  	[sflag:s14] =	ssyncadd.s32 $0xFFFFFC00  }
0x20: {  	s30 =	simm.s32 $0x0;
	[bflag:$0x0] =	sbarrier.arrive $0xFFFF  }
.LBB2_4:
0x21: {  	s0 =	sshll.u32 s30, $0x6  }
0x22: {  	s0 =	sadd.s32 s10, s0  }
0x23: {  	s0 =	sshrl.u32 s0, $0x3  }
0x24: {  	s5 =	sadd.s32 s6, s0  }
0x25: {  	[tilespmem:s29], [sflag:$0x2] =	stream.linear.gather [hbm4b:s5+s29], $0x40, $0x38;
	[tilespmem:$0x1C100] =	vst v63  }
0x26: {  	_ =	swait.ge [sflag:s14], $0x40  }
0x27: {  	[sflag:s14] =	ssyncset.done $0x0  }
0x28: {  	s0 =	sadd.s32 s7, s0;
	[sflag:s14] =	ssyncadd.s32 $0xFFFFFFC0  }
0x29: {  	[tilespmem:s15], [sflag:$0x2] =	stream.linear.gather [hbm4b:s0+s29], $0x40, $0x38;
	[tilespmem:$0x1C100] =	vst v63  }
0x2a: {  	_ =	swait.ge [sflag:s14], $0x40  }
0x2b: {  	[sflag:s14] =	ssyncset.done $0x0  }
0x2c: {  	[sflag:s14] =	ssyncadd.s32 $0xFFFFFFC0  }
0x2d: {  	v3 =	vld [tilespmem:$0x0];
	_ =	sdelay $0x4  }
0x2e: {  	v4 =	vshll.u32 v3, $0x1  }
0x2f: {  	v3 =	vand.u32 $0x7, v3;
	v4 =	vand.u32 $0xFFFFFFF0, v4  }
0x30: {  	v3 =	vor.u32 v3, v4  }
0x31: {  	v4 =	vperm.xlane v3, v0;
	_ =	sdelay $0x1  }
0x32: {  	v3 =	vperm.xlane v3, v2;
	v4 =	vadd.s32 v1, v4;
	_ =	sdelay $0x1  }
0x33: {  	v3 =	vadd.s32 v1, v3;
	_ =	sdelay $0x2  }
0x34: {  	[tilespmem:s16], [sflag:$0x1] =	stream.indirect_vreg.gather [hbm4b:s3+s29], $0x80, v4, vm0, $0xb8;
	[tilespmem:$0x1C100] =	vst v63  }
0x35: {  	_ = 	snop  }
0x36: {  	[tilespmem:s17], [sflag:$0x1] =	stream.indirect_vreg.gather [hbm4b:s3+s29], $0x80, v3, vm0, $0xb8;
	[tilespmem:$0x1C100] =	vst v63  }
0x37: {  	v3 =	vld [tilespmem:$0x10];
	_ =	sdelay $0x4  }
0x38: {  	v59 =	vshll.u32 v3, $0x1  }
0x39: {  	v3 =	vand.u32 $0x7, v3;
	v4 =	vand.u32 $0xFFFFFFF0, v59  }
0x3a: {  	v3 =	vor.u32 v3, v4  }
0x3b: {  	v4 =	vperm.xlane v3, v0;
	_ =	sdelay $0x1  }
0x3c: {  	v3 =	vperm.xlane v3, v2;
	v4 =	vadd.s32 v1, v4;
	_ =	sdelay $0x1  }
0x3d: {  	v3 =	vadd.s32 v1, v3;
	_ =	sdelay $0x2  }
0x3e: {  	[tilespmem:s18], [sflag:$0x1] =	stream.indirect_vreg.gather [hbm4b:s3+s29], $0x80, v4, vm0, $0xb8;
	[tilespmem:$0x1C100] =	vst v63  }
0x3f: {  	_ = 	snop  }
0x40: {  	[tilespmem:s19], [sflag:$0x1] =	stream.indirect_vreg.gather [hbm4b:s3+s29], $0x80, v3, vm0, $0xb8;
	[tilespmem:$0x1C100] =	vst v63  }
0x41: {  	v3 =	vld [tilespmem:$0x20];
	_ =	sdelay $0x4  }
0x42: {  	v60 =	vshll.u32 v3, $0x1  }
0x43: {  	v3 =	vand.u32 $0x7, v3;
	v4 =	vand.u32 $0xFFFFFFF0, v60  }
0x44: {  	v3 =	vor.u32 v3, v4  }
0x45: {  	v4 =	vperm.xlane v3, v0;
	_ =	sdelay $0x1  }
0x46: {  	v3 =	vperm.xlane v3, v2;
	v4 =	vadd.s32 v1, v4;
	_ =	sdelay $0x1  }
0x47: {  	v3 =	vadd.s32 v1, v3;
	_ =	sdelay $0x2  }
0x48: {  	[tilespmem:s20], [sflag:$0x1] =	stream.indirect_vreg.gather [hbm4b:s3+s29], $0x80, v4, vm0, $0xb8;
	[tilespmem:$0x1C100] =	vst v63  }
0x49: {  	_ = 	snop  }
0x4a: {  	[tilespmem:s21], [sflag:$0x1] =	stream.indirect_vreg.gather [hbm4b:s3+s29], $0x80, v3, vm0, $0xb8;
	[tilespmem:$0x1C100] =	vst v63  }
0x4b: {  	v3 =	vld [tilespmem:$0x30];
	_ =	sdelay $0x4  }
0x4c: {  	v61 =	vshll.u32 v3, $0x1  }
0x4d: {  	v3 =	vand.u32 $0x7, v3;
	v4 =	vand.u32 $0xFFFFFFF0, v61  }
0x4e: {  	v3 =	vor.u32 v3, v4  }
0x4f: {  	v4 =	vperm.xlane v3, v0;
	_ =	sdelay $0x1  }
0x50: {  	v3 =	vperm.xlane v3, v2;
	v4 =	vadd.s32 v1, v4;
	_ =	sdelay $0x1  }
0x51: {  	v3 =	vadd.s32 v1, v3;
	_ =	sdelay $0x2  }
0x52: {  	[tilespmem:s22], [sflag:$0x1] =	stream.indirect_vreg.gather [hbm4b:s3+s29], $0x80, v4, vm0, $0xb8;
	[tilespmem:$0x1C100] =	vst v63  }
0x53: {  	_ = 	snop  }
0x54: {  	[tilespmem:s23], [sflag:$0x1] =	stream.indirect_vreg.gather [hbm4b:s3+s29], $0x80, v3, vm0, $0xb8;
	[tilespmem:$0x1C100] =	vst v63  }
0x55: {  	_ =	swait.ge [sflag:s24], $0x4000  }
0x56: {  	[sflag:s24] =	ssyncset.done $0x0  }
0x57: {  	s11 =	simm.s32 $0x4100;
	[sflag:s24] =	ssyncadd.s32 $0xFFFFC000  }
0x58: {  	[tilespmem:s11], [sflag:$0x1] =	stream.indirect.gather [hbm4b:s4+s25], $0x80, s15, s25, $0xb8;
	[tilespmem:$0x1C100] =	vst v63  }
0x59: {  	_ =	swait.ge [sflag:s24], $0x2000  }
0x5a: {  	[sflag:s24] =	ssyncset.done $0x0  }
0x5b: {  	s1 =	sand.u32 $0x3800, s29;
	s8 =	sand.u32 $0x380, s29;
	[sflag:s24] =	ssyncadd.s32 $0xFFFFE000  }
0x5c: {  	s5 =	sor.u32 s8, s1;
	v3 =	vld [tilespmem:s11+$0x0]  }
0x5d: {  	v62 =	vld [tilespmem:s5+$0x500];
	_ =	sdelay $0x4  }
0x5e: {  	v4 =	vadd.f32 v3, v62;
	_ =	sdelay $0x1  }
0x5f: {  	v5 =	vmul.f32 $2.000000030e-01, v4;
	_ =	sdelay $0x1  }
0x60: {  	v4 =	vmax.f32 v4, v5  }
0x61: {  	v4 =	vmul.f32 $1.442695020e+00, v4;
	_ =	sdelay $0x1  }
0x62: {  	(erf) = vpow2.f32 v4;
	_ =	sdelay $0x8  }
0x63: {  	(v2sf) =	vpush v3, $0x4;
	v4 =	vpop (erf)  }
0x64: {  	(v2sf) =	vpush v4, $0x0;
	_ =	sdelay $0xd  }
0x65: {  	s11 =	spop (v2sf)  }
0x66: {  	v63 =	vld [tilespmem:s5+$0x100];
	(v2sf) =	vpush v3, $0x5;
	s1 =	spop (v2sf)  }
0x67: {  	(v2sf) =	vpush v4, $0x1;
	s0 =	smul.f32 s1, s11;
	_ =	sdelay $0x1  }
0x68: {  	s0 =	smul.f32 $2.500000000e-01, s0;
	_ =	sdelay $0x1  }
0x69: {  	v5 =	vmul.f32 s0, v63  }
0x6a: {  	s31 =	simm.s32 $0x6140  }
0x6b: {  	[tilespmem:s31+$0xFFFFFFC0] =	vst v5  }
0x6c: {  	v5 =	vld [tilespmem:s5+$0x110];
	_ =	sdelay $0x4  }
0x6d: {  	v5 =	vmul.f32 s0, v5;
	_ =	sdelay $0x1  }
0x6e: {  	s11 =	spop (v2sf);
	[tilespmem:s31+$0xFFFFFFD0] =	vst v5  }
0x6f: {  	(v2sf) =	vpush v3, $0x6;
	s1 =	spop (v2sf);
	v5 =	vld [tilespmem:s5+$0x120]  }
0x70: {  	(v2sf) =	vpush v4, $0x2;
	s0 =	smul.f32 s1, s11;
	_ =	sdelay $0x1  }
0x71: {  	s0 =	smul.f32 $2.500000000e-01, s0;
	_ =	sdelay $0x1  }
0x72: {  	v5 =	vmul.f32 s0, v5;
	_ =	sdelay $0x1  }
0x73: {  	[tilespmem:s31+$0xFFFFFFE0] =	vst v5  }
0x74: {  	v5 =	vld [tilespmem:s5+$0x130];
	_ =	sdelay $0x4  }
0x75: {  	v5 =	vmul.f32 s0, v5;
	_ =	sdelay $0x1  }
0x76: {  	s11 =	spop (v2sf);
	[tilespmem:s31+$0xFFFFFFF0] =	vst v5  }
0x77: {  	(v2sf) =	vpush v3, $0x7;
	s1 =	spop (v2sf);
	v5 =	vld [tilespmem:s5+$0x140]  }
0x78: {  	(v2sf) =	vpush v4, $0x3;
	s0 =	smul.f32 s1, s11;
	_ =	sdelay $0x1  }
0x79: {  	s0 =	smul.f32 $2.500000000e-01, s0;
	_ =	sdelay $0x1  }
0x7a: {  	v3 =	vmul.f32 s0, v5;
	_ =	sdelay $0x1  }
0x7b: {  	[tilespmem:s31+$0x0] =	vst v3  }
0x7c: {  	v3 =	vld [tilespmem:s5+$0x150];
	_ =	sdelay $0x4  }
0x7d: {  	v3 =	vmul.f32 s0, v3;
	_ =	sdelay $0x1  }
0x7e: {  	s11 =	spop (v2sf);
	[tilespmem:s31+$0x10] =	vst v3  }
0x7f: {  	s1 =	spop (v2sf);
	v3 =	vld [tilespmem:s5+$0x160]  }
0x80: {  	s0 =	smul.f32 s1, s11;
	_ =	sdelay $0x1  }
0x81: {  	s0 =	smul.f32 $2.500000000e-01, s0;
	_ =	sdelay $0x1  }
0x82: {  	v3 =	vmul.f32 s0, v3;
	_ =	sdelay $0x1  }
0x83: {  	[tilespmem:s31+$0x20] =	vst v3  }
0x84: {  	v3 =	vld [tilespmem:s5+$0x170];
	_ =	sdelay $0x4  }
0x85: {  	v3 =	vmul.f32 s0, v3  }
0x86: {  	s8 =	simm.s32 $0x200;
	s11 =	simm.s32 $0x100;
	s5 =	simm.s32 $0x80  }
0x87: {  	s11 =	sand.u32 $0x3800, s11;
	s28 =	sand.u32 $0x380, s5;
	s0 =	simm.s32 $0x4180;
	[tilespmem:s31+$0x30] =	vst v3  }
.LBB2_5:
0x88: {  	p0 =	sne.s32 s8, $0x3F00;
	s11 =	sor.u32 s28, s11;
	v3 =	vld [tilespmem:s0+$0x0]  }
0x89: {  	v4 =	vld [tilespmem:s11+$0x500]  }
0x8a: {  	v5 =	vld [tilespmem:s11+$0x100];
	_ =	sdelay $0x3  }
0x8b: {  	v4 =	vadd.f32 v3, v4;
	_ =	sdelay $0x1  }
0x8c: {  	v6 =	vmul.f32 $2.000000030e-01, v4;
	_ =	sdelay $0x1  }
0x8d: {  	v4 =	vmax.f32 v4, v6  }
0x8e: {  	v4 =	vmul.f32 $1.442695020e+00, v4;
	_ =	sdelay $0x1  }
0x8f: {  	(erf) = vpow2.f32 v4;
	_ =	sdelay $0x8  }
0x90: {  	v4 =	vpop (erf);
	(v2sf) =	vpush v3, $0x4  }
0x91: {  	(v2sf) =	vpush v4, $0x0;
	_ =	sdelay $0xd  }
0x92: {  	s28 =	spop (v2sf)  }
0x93: {  	s1 =	spop (v2sf);
	(v2sf) =	vpush v3, $0x5  }
0x94: {  	s1 =	smul.f32 s1, s28;
	(v2sf) =	vpush v4, $0x1;
	_ =	sdelay $0x1  }
0x95: {  	s1 =	smul.f32 $2.500000000e-01, s1;
	_ =	sdelay $0x1  }
0x96: {  	v5 =	vmul.f32 s1, v5  }
0x97: {  	s31 =	sadd.s32 $0x80, s31  }
0x98: {  	[tilespmem:s31+$0xFFFFFFC0] =	vst v5  }
0x99: {  	v5 =	vld [tilespmem:s11+$0x110];
	_ =	sdelay $0x4  }
0x9a: {  	v5 =	vmul.f32 s1, v5;
	_ =	sdelay $0x1  }
0x9b: {  	[tilespmem:s31+$0xFFFFFFD0] =	vst v5;
	s1 =	spop (v2sf)  }
0x9c: {  	v5 =	vld [tilespmem:s11+$0x120];
	s28 =	spop (v2sf);
	(v2sf) =	vpush v3, $0x6  }
0x9d: {  	s1 =	smul.f32 s28, s1;
	(v2sf) =	vpush v4, $0x2;
	_ =	sdelay $0x1  }
0x9e: {  	s1 =	smul.f32 $2.500000000e-01, s1;
	_ =	sdelay $0x1  }
0x9f: {  	v5 =	vmul.f32 s1, v5;
	_ =	sdelay $0x1  }
0xa0: {  	[tilespmem:s31+$0xFFFFFFE0] =	vst v5  }
0xa1: {  	v5 =	vld [tilespmem:s11+$0x130];
	_ =	sdelay $0x4  }
0xa2: {  	v5 =	vmul.f32 s1, v5;
	_ =	sdelay $0x1  }
0xa3: {  	[tilespmem:s31+$0xFFFFFFF0] =	vst v5;
	s1 =	spop (v2sf)  }
0xa4: {  	v5 =	vld [tilespmem:s11+$0x140];
	s28 =	spop (v2sf);
	(v2sf) =	vpush v3, $0x7  }
0xa5: {  	s1 =	smul.f32 s28, s1;
	(v2sf) =	vpush v4, $0x3;
	_ =	sdelay $0x1  }
0xa6: {  	s1 =	smul.f32 $2.500000000e-01, s1;
	_ =	sdelay $0x1  }
0xa7: {  	v3 =	vmul.f32 s1, v5;
	_ =	sdelay $0x1  }
0xa8: {  	[tilespmem:s31+$0x0] =	vst v3  }
0xa9: {  	v3 =	vld [tilespmem:s11+$0x150];
	_ =	sdelay $0x4  }
0xaa: {  	v3 =	vmul.f32 s1, v3;
	_ =	sdelay $0x1  }
0xab: {  	[tilespmem:s31+$0x10] =	vst v3;
	s1 =	spop (v2sf)  }
0xac: {  	v3 =	vld [tilespmem:s11+$0x160];
	s28 =	spop (v2sf)  }
0xad: {  	s1 =	smul.f32 s28, s1;
	_ =	sdelay $0x1  }
0xae: {  	s1 =	smul.f32 $2.500000000e-01, s1;
	_ =	sdelay $0x1  }
0xaf: {  	v3 =	vmul.f32 s1, v3;
	_ =	sdelay $0x1  }
0xb0: {  	[tilespmem:s31+$0x20] =	vst v3  }
0xb1: {  	v3 =	vld [tilespmem:s11+$0x170];
	_ =	sdelay $0x2  }
.Ltmp1:
0xb2: {  	(pc) =	sbr.rel @p0 .LBB2_5-.Ltmp1, $4  }
0xb3: {  	_ = 	snop  }
0xb4: {  	v3 =	vmul.f32 s1, v3  }
0xb5: {  	s5 =	sadd.s32 $0x80, s5;
	s0 =	sadd.s32 $0x80, s0  }
0xb6: {  	s28 =	sand.u32 $0x380, s5;
	s11 =	sand.u32 $0x3800, s8;
	s8 =	sadd.s32 $0x100, s8;
	[tilespmem:s31+$0x30] =	vst v3  }
0xb7: {  	s1 =	sor.u32 s28, s11;
	v3 =	vld [tilespmem:s0+$0x0]  }
0xb8: {  	v4 =	vld [tilespmem:s1+$0x500];
	_ =	sdelay $0x4  }
0xb9: {  	v4 =	vadd.f32 v3, v4;
	_ =	sdelay $0x1  }
0xba: {  	v5 =	vmul.f32 $2.000000030e-01, v4;
	_ =	sdelay $0x1  }
0xbb: {  	v4 =	vmax.f32 v4, v5  }
0xbc: {  	v4 =	vmul.f32 $1.442695020e+00, v4;
	_ =	sdelay $0x1  }
0xbd: {  	(erf) = vpow2.f32 v4;
	_ =	sdelay $0x8  }
0xbe: {  	(v2sf) =	vpush v3, $0x4;
	v4 =	vpop (erf)  }
0xbf: {  	(v2sf) =	vpush v4, $0x0;
	_ =	sdelay $0xd  }
0xc0: {  	s8 =	spop (v2sf)  }
0xc1: {  	v63 =	vld [tilespmem:s1+$0x100];
	(v2sf) =	vpush v3, $0x5;
	s5 =	spop (v2sf)  }
0xc2: {  	(v2sf) =	vpush v4, $0x1;
	s0 =	smul.f32 s5, s8;
	_ =	sdelay $0x1  }
0xc3: {  	s0 =	smul.f32 $2.500000000e-01, s0;
	_ =	sdelay $0x1  }
0xc4: {  	v5 =	vmul.f32 s0, v63  }
0xc5: {  	s5 =	sadd.s32 $0x80, s31  }
0xc6: {  	[tilespmem:s5+$0xFFFFFFC0] =	vst v5  }
0xc7: {  	v5 =	vld [tilespmem:s1+$0x110];
	_ =	sdelay $0x4  }
0xc8: {  	v5 =	vmul.f32 s0, v5;
	_ =	sdelay $0x1  }
0xc9: {  	s11 =	spop (v2sf);
	[tilespmem:s5+$0xFFFFFFD0] =	vst v5  }
0xca: {  	(v2sf) =	vpush v3, $0x6;
	s8 =	spop (v2sf);
	v5 =	vld [tilespmem:s1+$0x120]  }
0xcb: {  	(v2sf) =	vpush v4, $0x2;
	s0 =	smul.f32 s8, s11;
	_ =	sdelay $0x1  }
0xcc: {  	s0 =	smul.f32 $2.500000000e-01, s0;
	_ =	sdelay $0x1  }
0xcd: {  	v5 =	vmul.f32 s0, v5;
	_ =	sdelay $0x1  }
0xce: {  	[tilespmem:s5+$0xFFFFFFE0] =	vst v5  }
0xcf: {  	v5 =	vld [tilespmem:s1+$0x130];
	_ =	sdelay $0x4  }
0xd0: {  	v5 =	vmul.f32 s0, v5;
	_ =	sdelay $0x1  }
0xd1: {  	s28 =	spop (v2sf);
	[tilespmem:s5+$0xFFFFFFF0] =	vst v5  }
0xd2: {  	(v2sf) =	vpush v3, $0x7;
	s31 =	spop (v2sf);
	v5 =	vld [tilespmem:s1+$0x140]  }
0xd3: {  	(v2sf) =	vpush v4, $0x3;
	s0 =	smul.f32 s31, s28;
	_ =	sdelay $0x1  }
0xd4: {  	s0 =	smul.f32 $2.500000000e-01, s0;
	_ =	sdelay $0x1  }
0xd5: {  	v3 =	vmul.f32 s0, v5;
	_ =	sdelay $0x1  }
0xd6: {  	[tilespmem:s5+$0x0] =	vst v3  }
0xd7: {  	v3 =	vld [tilespmem:s1+$0x150];
	_ =	sdelay $0x4  }
0xd8: {  	v3 =	vmul.f32 s0, v3;
	_ =	sdelay $0x1  }
0xd9: {  	s11 =	spop (v2sf);
	[tilespmem:s5+$0x10] =	vst v3  }
0xda: {  	s28 =	spop (v2sf);
	v3 =	vld [tilespmem:s1+$0x160]  }
0xdb: {  	s0 =	smul.f32 s28, s11;
	_ =	sdelay $0x1  }
0xdc: {  	s0 =	smul.f32 $2.500000000e-01, s0;
	_ =	sdelay $0x1  }
0xdd: {  	v3 =	vmul.f32 s0, v3;
	_ =	sdelay $0x1  }
0xde: {  	[tilespmem:s5+$0x20] =	vst v3  }
0xdf: {  	v3 =	vld [tilespmem:s1+$0x170];
	_ =	sdelay $0x4  }
0xe0: {  	s30 =	sadd.s32 $0x1, s30;
	v3 =	vmul.f32 s0, v3  }
0xe1: {  	p0 =	sne.s32 s30, $0x9E  }
.Ltmp2:
0xe2: {  	s31 =	rddreg [dreg:$0x1];
	[tilespmem:s5+$0x30] =	vst v3;
	(pc) =	sbr.rel @p0 .LBB2_4-.Ltmp2, $4  }
0xe3: {  	[spmem:s31] =	stream.indirect.scatter.add.f32 [tilespmem:s26], [sflag:$0x2], $0x80, s15, s25, $0xb8;
	[tilespmem:$0x1C100] =	vst v63  }
0xe4: {  	_ =	swait.ge [sflag:s14], $0x2000  }
0xe5: {  	[sflag:s14] =	ssyncset.done $0x0  }
0xe6: {  	[sflag:s14] =	ssyncadd.s32 $0xFFFFE000  }
0xe7: {  	[bflag:$0x0] =	sbarrier.arrive $0xFFFF  }
0xe8: {  	[tilespmem:s13], [sflag:$0x2] =	stream.linear.gather [spmem:s9], $0x400, $0x38;
	[tilespmem:$0x1C100] =	vst v63  }
0xe9: {  	_ =	swait.ge [sflag:s14], $0x400  }
0xea: {  	[sflag:s14] =	ssyncset.done $0x0  }
0xeb: {  	s0 =	sadd.s32 $0x0, s12;
	[sflag:s14] =	ssyncadd.s32 $0xFFFFFC00  }
0xec: {  	[hbm4b:s0+s2] =	stream.linear.scatter [tilespmem:s13], [sflag:$0x2], $0x400, $0x38;
	[tilespmem:$0x1C100] =	vst v63  }
0xed: {  	_ =	swait.ge [sflag:s14], $0x400  }
0xee: {  	s5 =	smov.u32 s9;
	s0 =	simm.s32 $0x80;
	[sflag:s14] =	ssyncset.done $0x0  }
.LBB2_8:
0xef: {  	p0 =	sne.s32 s0, $0x2700;
	[sflag:s14] =	ssyncadd.s32 $0xFFFFFC00;
	s5 =	sadd.s32 $0x400, s5  }
0xf0: {  	[tilespmem:s13], [sflag:$0x2] =	stream.linear.gather [spmem:s5], $0x400, $0x38;
	[tilespmem:$0x1C100] =	vst v63  }
0xf1: {  	s1 =	smov.u32 s0;
	s0 =	sadd.s32 $0x80, s0;
	_ =	swait.ge [sflag:s14], $0x400  }
.Ltmp3:
0xf2: {  	[sflag:s14] =	ssyncset.done $0x0;
	(pc) =	sbr.rel @p0 .LBB2_8-.Ltmp3, $4  }
0xf3: {  	s1 =	sadd.s32 s1, s12;
	[sflag:s14] =	ssyncadd.s32 $0xFFFFFC00  }
0xf4: {  	[hbm4b:s1+s2] =	stream.linear.scatter [tilespmem:s13], [sflag:$0x2], $0x400, $0x38;
	[tilespmem:$0x1C100] =	vst v63  }
0xf5: {  	_ =	swait.ge [sflag:s14], $0x400  }
0xf6: {  	[sflag:s14] =	ssyncset.done $0x0  }
0xf7: {  	s1 =	rddreg [dreg:$0x5]  }
0xf8: {  	s0 =	rddreg [dreg:$0x4];
	s1 =	sadd.s32 $0x1, s1  }
0xf9: {  	p0 =	sne.s32 s1, s0  }
.Ltmp4:
0xfa: {  	_ = 	snop;
	(pc) =	sbr.rel @p0 .LBB2_1-.Ltmp4, $2  }
0xfb: {  	_ =	sdelay $0x2  }
0xfc: {  	[sflag:s14] =	ssyncadd.s32 $0xFFFFFC00  }
0xfd: {  	_ =	sfence.sel $0x180000  }
0xfe: {  	[bflag:$0x0] =	sbarrier.arrive $0xFFFF  }
0xff: {  	_ =	strace $0x90000050  }
0x100: {  	s0 =	stileid.u32;
	[bflag:$0x2] =	sbarrier.arrive $0xFFFF  }
0x101: {  	p0 =	sne.s32 s0, $0x0;
	s0 =	rddreg [dreg:$0x2]  }
0x102: {  	s0 =	sadd.s32 @!p0 $0x100000, s0  }
0x103: {  	[sflag:s0] =	ssyncadd.tile.s32 @!p0 $0x1;
	_ =	shalt  }
.Lfunc_end2:
_tile_overlayer_lowered:
.L_overlay_start_2:
0x104: {  	(tag) =	ssettag $0x2  }
0x105: {  	s0 =	rddreg [dreg:$0x0];
	s2 =	stileid.u32  }
0x106: {  	s1 =	rddreg [dreg:$0x1];
	p0 =	sne.s32 s2, $0x0  }
0x107: {  	s3 =	rddreg [dreg:$0x2];
	[bflag:$0x3] =	sbarrier.arrive $0xFFFF;
	s2 =	simm.s32 @!p0 $0x1C02  }
0x108: {  	[timem:s3], [sflag:s2] =	dma.local @!p0 [hbm:s0], s1  }
0x109: {  	s0 =	simm.s32 @!p0 $0x2  }
0x10a: {  	_ =	swait.ge @!p0 [sflag:s0], s1  }
0x10b: {  	s1 =	ssub.s32 @!p0 $0x0, s1;
	[sflag:s0] =	ssyncset.done @!p0 $0x0  }
0x10c: {  	[sflag:s0] =	ssyncadd.s32 @!p0 s1  }
0x10d: {  	[bflag:$0x3] =	sbarrier.arrive $0xFFFF  }
0x10e: {  	_ =	shalt  }

</sc_bundles>
